<compile_context>
chip_gen: v7x
topology: tpu7x:2x2x1
jax: 0.10.2.dev20260603
libtpu: 0.0.44.dev20260713+nightly
codegen_flags: <defaults>
</compile_context>

<pallas_src>
import functools

import jax
import jax.numpy as jnp
from jax import lax
from jax.experimental import pallas as pl
from jax.experimental.pallas import tpu as pltpu
from jax.experimental.pallas import tpu_sc as plsc

N = 8192
D = 256
RB = 1024
NB = N // RB
K = 1024

NTILES = 16
CHUNK = N // NTILES
QUOTA = 112
NCAND = NTILES * QUOTA
BISECT_ITERS = 45



NPAIR = NB * (NB + 1) // 2
PPS = 4


def _decode(t):
    i = jnp.int32(0)
    for b in range(1, NB):
        tb = b * NB - (b * (b - 1)) // 2
        i = i + jnp.where(t >= tb, jnp.int32(1), jnp.int32(0))
    tstart = i * NB - (i * (i - 1)) // 2
    j = i + (t - tstart)
    return i, j


def _tri_body(x_ref, wcol_ref, wrow_ref, mc_ref, mr_ref):
    s = pl.program_id(0)
    for u in range(PPS):
        t = s * PPS + u
        i, j = _decode(t)
        xa = x_ref[pl.ds(i * RB, RB), :]
        xb = x_ref[pl.ds(j * RB, RB), :]
        P = jax.lax.dot_general(
            xa, xb, (((1,), (1,)), ((), ())),
            preferred_element_type=jnp.float32)
        wc = wcol_ref[pl.ds(i * RB, RB), :]
        wr = wrow_ref[:, pl.ds(j * RB, RB)]
        G = P / (wc * wr)
        r = jax.lax.broadcasted_iota(jnp.int32, (RB, RB), 0)
        c = jax.lax.broadcasted_iota(jnp.int32, (RB, RB), 1)
        Gm = jnp.where((r == c) & (i == j), -jnp.inf, G)
        rowm = jnp.max(Gm, axis=1, keepdims=True)
        colm = jnp.max(Gm, axis=0, keepdims=True)
        oldc = mc_ref[pl.ds(i * RB, RB), :]
        mc_ref[pl.ds(i * RB, RB), :] = jnp.where(
            j == i, rowm, jnp.maximum(oldc, rowm))
        oldr = mr_ref[:, pl.ds(j * RB, RB)]
        mr_ref[:, pl.ds(j * RB, RB)] = jnp.where(
            i == 0, colm, jnp.maximum(oldr, colm))


def _rowmax_tri(x, w_col, w_row):
    return pl.pallas_call(
        _tri_body,
        grid=(NPAIR // PPS,),
        in_specs=[
            pl.BlockSpec((N, D), lambda s: (0, 0)),
            pl.BlockSpec((N, 1), lambda s: (0, 0)),
            pl.BlockSpec((1, N), lambda s: (0, 0)),
        ],
        out_specs=[
            pl.BlockSpec((N, 1), lambda s: (0, 0)),
            pl.BlockSpec((1, N), lambda s: (0, 0)),
        ],
        out_shape=[
            jax.ShapeDtypeStruct((N, 1), jnp.float32),
            jax.ShapeDtypeStruct((1, N), jnp.float32),
        ],
    )(x, w_col, w_row)



def _bisect_body(mc_ref, mr_ref, m_ref, vk_ref):
    m = jnp.maximum(jnp.transpose(mc_ref[...]), mr_ref[...])
    m_ref[...] = m

    def it(_, lohi):
        lo, hi = lohi
        mid = (lo + hi) * jnp.float32(0.5)
        cnt = jnp.sum((m > mid).astype(jnp.int32))
        pred = cnt < K
        return (jnp.where(pred, lo, mid), jnp.where(pred, mid, hi))

    lo, hi = lax.fori_loop(
        0, BISECT_ITERS, it, (jnp.float32(-2.0), jnp.float32(2.0)))
    for l in range(16):
        vk_ref[0, l] = hi


def _combine_bisect(mc, mr):
    return pl.pallas_call(
        _bisect_body,
        in_specs=[
            pl.BlockSpec((N, 1), lambda: (0, 0)),
            pl.BlockSpec((1, N), lambda: (0, 0)),
        ],
        out_specs=[
            pl.BlockSpec((1, N), lambda: (0, 0)),
            pl.BlockSpec(memory_space=pltpu.SMEM),
        ],
        out_shape=[
            jax.ShapeDtypeStruct((1, N), jnp.float32),
            jax.ShapeDtypeStruct((1, 16), jnp.float32),
        ],
    )(mc, mr)



def _sc_select_impl(m_hbm, vk_hbm, candv_hbm, candi_hbm, mv, vkv, clv, cli):
    cid = lax.axis_index("c")
    sid = lax.axis_index("s")

    @pl.when(cid == 0)
    def _():
        t = sid
        pltpu.sync_copy(m_hbm.at[pl.ds(t * CHUNK, CHUNK)], mv)
        pltpu.sync_copy(vk_hbm, vkv)
        for q in range((QUOTA + 16) // 16):
            clv[pl.ds(q * 16, 16)] = jnp.full((16,), -jnp.inf, jnp.float32)
            cli[pl.ds(q * 16, 16)] = jnp.full((16,), N, jnp.int32)
        vk = vkv[...]
        base = t * CHUNK
        lane = lax.iota(jnp.int32, 16)

        def step(k, off):
            v = mv[pl.ds(k * 16, 16)]
            msk = v >= vk
            key = lane + jnp.where(msk, jnp.int32(0), jnp.int32(1024))
            _, vs = plsc.sort_key_val(key, v)
            _, gs = plsc.sort_key_val(key, lane + (base + k * 16))
            offc = jnp.minimum(off, QUOTA)
            clv[pl.ds(offc, 16)] = vs
            cli[pl.ds(offc, 16)] = gs
            pc = plsc.cumsum(jnp.where(msk, jnp.int32(1), jnp.int32(0)))
            return off + pc[15]

        lax.fori_loop(0, CHUNK // 16, step, jnp.int32(0))
        pltpu.sync_copy(clv.at[pl.ds(0, QUOTA)],
                        candv_hbm.at[pl.ds(t * QUOTA, QUOTA)])
        pltpu.sync_copy(cli.at[pl.ds(0, QUOTA)],
                        candi_hbm.at[pl.ds(t * QUOTA, QUOTA)])


@functools.cache
def _sc_select_kernel():
    return pl.kernel(
        _sc_select_impl,
        out_type=[
            jax.ShapeDtypeStruct((NCAND,), jnp.float32),
            jax.ShapeDtypeStruct((NCAND,), jnp.int32),
        ],
        mesh=plsc.VectorSubcoreMesh(
            core_axis_name="c", subcore_axis_name="s"),
        compiler_params=pltpu.CompilerParams(needs_layout_passes=False),
        scratch_types=[
            pltpu.VMEM((CHUNK,), jnp.float32),
            pltpu.VMEM((16,), jnp.float32),
            pltpu.VMEM((QUOTA + 16,), jnp.float32),
            pltpu.VMEM((QUOTA + 16,), jnp.int32),
        ],
    )


def _sc_select(m, vk16):
    return _sc_select_kernel()(m, vk16)



NCB = NCAND // 128


def _rank_place_body(cvr_ref, cir_ref, vals_ref, inds_ref, rank_ref):
    cvr = cvr_ref[...]
    cir = cir_ref[...]
    for b in range(NCB):
        colv = jnp.transpose(cvr[:, b * 128:(b + 1) * 128])
        coli = jnp.transpose(cir[:, b * 128:(b + 1) * 128])
        beats = (cvr > colv) | ((cvr == colv) & (cir < coli))
        rnk = jnp.sum(beats.astype(jnp.int32), axis=1, keepdims=True)
        rank_ref[:, b * 128:(b + 1) * 128] = jnp.transpose(rnk)
    rank = rank_ref[...]
    cif = cir.astype(jnp.float32)
    for rb in range(K // 128):
        r_col = jax.lax.broadcasted_iota(jnp.int32, (128, 1), 0) + rb * 128
        hit = rank == r_col
        v = jnp.max(jnp.where(hit, cvr, -jnp.inf), axis=1, keepdims=True)
        ix = jnp.sum(jnp.where(hit, cif, 0.0), axis=1, keepdims=True)
        vals_ref[:, rb * 128:(rb + 1) * 128] = jnp.transpose(v)
        inds_ref[:, rb * 128:(rb + 1) * 128] = jnp.transpose(
            ix).astype(jnp.int32)


def _rank_place(cv_row, ci_row):
    return pl.pallas_call(
        _rank_place_body,
        in_specs=[
            pl.BlockSpec((1, NCAND), lambda: (0, 0)),
            pl.BlockSpec((1, NCAND), lambda: (0, 0)),
        ],
        out_specs=[
            pl.BlockSpec((1, K), lambda: (0, 0)),
            pl.BlockSpec((1, K), lambda: (0, 0)),
        ],
        out_shape=[
            jax.ShapeDtypeStruct((1, K), jnp.float32),
            jax.ShapeDtypeStruct((1, K), jnp.int32),
        ],
        scratch_shapes=[pltpu.VMEM((1, NCAND), jnp.int32)],
    )(cv_row, ci_row)


def kernel(x, nb_selected):
    w = jnp.sqrt(jnp.sum(x * x, axis=1, keepdims=True))
    mc, mr = _rowmax_tri(x, w, w.reshape(1, N))
    m1, vk = _combine_bisect(mc, mr)
    candv, candi = _sc_select(m1.reshape(N), vk.reshape(16))
    vals, inds = _rank_place(candv.reshape(1, NCAND), candi.reshape(1, NCAND))
    return vals.reshape(K), inds.reshape(K)

# --- scband reference (transcript-rebuilt; emitter-appended) ---
"""Pipeline reference for scband-net-41326175322189 (READ-ONLY COPY).

The authoritative reference and input builder live on the scoring server;
editing this copy changes nothing except your own understanding.
"""

import jax, jax.numpy as jnp
import numpy as np


def setup_inputs(seed: int = 0) -> dict:
    key = jax.random.key(seed)
    x = jax.random.normal(key, (8192, 256), dtype=jnp.float32)
    return {"x": x, "nb_selected": 1024}


def reference(x, nb_selected):
    # get_G: pairwise cosine similarity matrix
    w = jnp.sqrt(jnp.sum(x * x, axis=1, keepdims=True))
    G = jnp.matmul(x, x.T) / (w * w.T)
    # sample_method == 'topk_max': mask diagonal with -inf
    t = G.shape[0]
    diag_mask = jnp.eye(t, dtype=bool)
    G = jnp.where(diag_mask, -jnp.inf, G)
    max_G = jnp.max(G, axis=1)
    values, inds = jax.lax.top_k(max_G, 1024)
    zero = nb_selected * 0
    values = values + zero
    inds = inds + zero
    return values, inds

if __name__ == "__main__":
    import jax
    _d = setup_inputs()
    print(jax.jit(kernel)(*tuple(_d.values())))

</pallas_src>

<mosaic_0001>
#map = affine_map<(d0, d1) -> (0)>
module attributes {stable_mosaic.version = 14 : i64} {
  func.func @_sc_select_impl(%arg0: i32, %arg1: i32, %arg2: memref<8192xf32, #tpu.memory_space<hbm>>, %arg3: memref<16xf32, #tpu.memory_space<hbm>>, %arg4: memref<1792xf32, #tpu.memory_space<hbm>>, %arg5: memref<1792xi32, #tpu.memory_space<hbm>>, %arg6: memref<512xf32, #tpu.memory_space<vmem>>, %arg7: memref<16xf32, #tpu.memory_space<vmem>>, %arg8: memref<128xf32, #tpu.memory_space<vmem>>, %arg9: memref<128xi32, #tpu.memory_space<vmem>>) attributes {dimension_semantics = [#tpu.dimension_semantics<core_parallel>, #tpu.dimension_semantics<subcore_parallel>], iteration_bounds = array<i64: 2, 16>, scalar_prefetch = 0 : i64, scratch_operands = 4 : i64, tpu.core_type = #tpu.core_type<sc_vector_subcore>, window_params = [{transform_indices = #map}, {transform_indices = #map}, {transform_indices = #map}, {transform_indices = #map}]} {
    %eq3A = arith.constant 0 : i32
    %eq3A_0 = arith.cmpi eq, %arg0, %eq3A : i32
    %convert_element_type3A = arith.extui %eq3A_0 : i1 to i32
    %cond3A = arith.constant 0 : i32
    %cond3A_1 = arith.cmpi ne, %convert_element_type3A, %cond3A : i32
    scf.if %cond3A_1 {
      %mul3A = arith.constant 512 : i32
      %mul3A_2 = arith.muli %arg1, %mul3A : i32
      "tpu.region"() ({
        %run_scoped3A = tpu.sem_alloc : memref<!tpu.dma_semaphore, #tpu.memory_space<semaphore_mem>>
        %dma_start3A = tpu.memref_slice %arg2[%mul3A_2] : memref<8192xf32, #tpu.memory_space<hbm>> -> memref<512xf32, #tpu.memory_space<hbm>>
        %dma_start3A_78 = tpu.memref_slice %arg2[%mul3A_2] : memref<8192xf32, #tpu.memory_space<hbm>> -> memref<512xf32, #tpu.memory_space<hbm>>
        tpu.enqueue_dma source(%dma_start3A_78 : memref<512xf32, #tpu.memory_space<hbm>>) target(%arg6 : memref<512xf32, #tpu.memory_space<vmem>>) target_semaphore(%run_scoped3A : memref<!tpu.dma_semaphore, #tpu.memory_space<semaphore_mem>>)
        %dma_wait3A = tpu.memref_slice %arg2[%mul3A_2] : memref<8192xf32, #tpu.memory_space<hbm>> -> memref<512xf32, #tpu.memory_space<hbm>>
        %dma_wait3A_79 = tpu.memref_slice %arg2[%mul3A_2] : memref<8192xf32, #tpu.memory_space<hbm>> -> memref<512xf32, #tpu.memory_space<hbm>>
        tpu.wait_dma2 semaphore(%run_scoped3A : memref<!tpu.dma_semaphore, #tpu.memory_space<semaphore_mem>>) src(%dma_wait3A_79 : memref<512xf32, #tpu.memory_space<hbm>>) dst(%arg6 : memref<512xf32, #tpu.memory_space<vmem>>)
        tpu.yield
      }) : () -> ()
      "tpu.region"() ({
        %run_scoped3A = tpu.sem_alloc : memref<!tpu.dma_semaphore, #tpu.memory_space<semaphore_mem>>
        tpu.enqueue_dma source(%arg3 : memref<16xf32, #tpu.memory_space<hbm>>) target(%arg7 : memref<16xf32, #tpu.memory_space<vmem>>) target_semaphore(%run_scoped3A : memref<!tpu.dma_semaphore, #tpu.memory_space<semaphore_mem>>)
        tpu.wait_dma2 semaphore(%run_scoped3A : memref<!tpu.dma_semaphore, #tpu.memory_space<semaphore_mem>>) src(%arg3 : memref<16xf32, #tpu.memory_space<hbm>>) dst(%arg7 : memref<16xf32, #tpu.memory_space<vmem>>)
        tpu.yield
      }) : () -> ()
      %broadcast_in_dim3A = arith.constant 0xFF800000 : f32
      %broadcast_in_dim3A_3 = vector.broadcast %broadcast_in_dim3A : f32 to vector<16xf32>
      %swap3A = arith.constant 0 : index
      %swap3A_4 = tpu.vector_load %arg8[%swap3A] {strides = array<i32>} : memref<128xf32, #tpu.memory_space<vmem>>, vector<16xf32>,
      tpu.vector_store %arg8[%swap3A], %broadcast_in_dim3A_3 {strides = array<i32>} : memref<128xf32, #tpu.memory_space<vmem>>, vector<16xf32>,
      %broadcast_in_dim3A_5 = arith.constant 8192 : i32
      %broadcast_in_dim3A_6 = vector.broadcast %broadcast_in_dim3A_5 : i32 to vector<16xi32>
      %swap3A_7 = arith.constant 0 : index
      %swap3A_8 = tpu.vector_load %arg9[%swap3A_7] {strides = array<i32>} : memref<128xi32, #tpu.memory_space<vmem>>, vector<16xi32>,
      tpu.vector_store %arg9[%swap3A_7], %broadcast_in_dim3A_6 {strides = array<i32>} : memref<128xi32, #tpu.memory_space<vmem>>, vector<16xi32>,
      %broadcast_in_dim3A_9 = arith.constant 0xFF800000 : f32
      %broadcast_in_dim3A_10 = vector.broadcast %broadcast_in_dim3A_9 : f32 to vector<16xf32>
      %swap3A_11 = arith.constant 16 : index
      %swap3A_12 = tpu.vector_load %arg8[%swap3A_11] {strides = array<i32>} : memref<128xf32, #tpu.memory_space<vmem>>, vector<16xf32>,
      tpu.vector_store %arg8[%swap3A_11], %broadcast_in_dim3A_10 {strides = array<i32>} : memref<128xf32, #tpu.memory_space<vmem>>, vector<16xf32>,
      %broadcast_in_dim3A_13 = arith.constant 8192 : i32
      %broadcast_in_dim3A_14 = vector.broadcast %broadcast_in_dim3A_13 : i32 to vector<16xi32>
      %swap3A_15 = arith.constant 16 : index
      %swap3A_16 = tpu.vector_load %arg9[%swap3A_15] {strides = array<i32>} : memref<128xi32, #tpu.memory_space<vmem>>, vector<16xi32>,
      tpu.vector_store %arg9[%swap3A_15], %broadcast_in_dim3A_14 {strides = array<i32>} : memref<128xi32, #tpu.memory_space<vmem>>, vector<16xi32>,
      %broadcast_in_dim3A_17 = arith.constant 0xFF800000 : f32
      %broadcast_in_dim3A_18 = vector.broadcast %broadcast_in_dim3A_17 : f32 to vector<16xf32>
      %swap3A_19 = arith.constant 32 : index
      %swap3A_20 = tpu.vector_load %arg8[%swap3A_19] {strides = array<i32>} : memref<128xf32, #tpu.memory_space<vmem>>, vector<16xf32>,
      tpu.vector_store %arg8[%swap3A_19], %broadcast_in_dim3A_18 {strides = array<i32>} : memref<128xf32, #tpu.memory_space<vmem>>, vector<16xf32>,
      %broadcast_in_dim3A_21 = arith.constant 8192 : i32
      %broadcast_in_dim3A_22 = vector.broadcast %broadcast_in_dim3A_21 : i32 to vector<16xi32>
      %swap3A_23 = arith.constant 32 : index
      %swap3A_24 = tpu.vector_load %arg9[%swap3A_23] {strides = array<i32>} : memref<128xi32, #tpu.memory_space<vmem>>, vector<16xi32>,
      tpu.vector_store %arg9[%swap3A_23], %broadcast_in_dim3A_22 {strides = array<i32>} : memref<128xi32, #tpu.memory_space<vmem>>, vector<16xi32>,
      %broadcast_in_dim3A_25 = arith.constant 0xFF800000 : f32
      %broadcast_in_dim3A_26 = vector.broadcast %broadcast_in_dim3A_25 : f32 to vector<16xf32>
      %swap3A_27 = arith.constant 48 : index
      %swap3A_28 = tpu.vector_load %arg8[%swap3A_27] {strides = array<i32>} : memref<128xf32, #tpu.memory_space<vmem>>, vector<16xf32>,
      tpu.vector_store %arg8[%swap3A_27], %broadcast_in_dim3A_26 {strides = array<i32>} : memref<128xf32, #tpu.memory_space<vmem>>, vector<16xf32>,
      %broadcast_in_dim3A_29 = arith.constant 8192 : i32
      %broadcast_in_dim3A_30 = vector.broadcast %broadcast_in_dim3A_29 : i32 to vector<16xi32>
      %swap3A_31 = arith.constant 48 : index
      %swap3A_32 = tpu.vector_load %arg9[%swap3A_31] {strides = array<i32>} : memref<128xi32, #tpu.memory_space<vmem>>, vector<16xi32>,
      tpu.vector_store %arg9[%swap3A_31], %broadcast_in_dim3A_30 {strides = array<i32>} : memref<128xi32, #tpu.memory_space<vmem>>, vector<16xi32>,
      %broadcast_in_dim3A_33 = arith.constant 0xFF800000 : f32
      %broadcast_in_dim3A_34 = vector.broadcast %broadcast_in_dim3A_33 : f32 to vector<16xf32>
      %swap3A_35 = arith.constant 64 : index
      %swap3A_36 = tpu.vector_load %arg8[%swap3A_35] {strides = array<i32>} : memref<128xf32, #tpu.memory_space<vmem>>, vector<16xf32>,
      tpu.vector_store %arg8[%swap3A_35], %broadcast_in_dim3A_34 {strides = array<i32>} : memref<128xf32, #tpu.memory_space<vmem>>, vector<16xf32>,
      %broadcast_in_dim3A_37 = arith.constant 8192 : i32
      %broadcast_in_dim3A_38 = vector.broadcast %broadcast_in_dim3A_37 : i32 to vector<16xi32>
      %swap3A_39 = arith.constant 64 : index
      %swap3A_40 = tpu.vector_load %arg9[%swap3A_39] {strides = array<i32>} : memref<128xi32, #tpu.memory_space<vmem>>, vector<16xi32>,
      tpu.vector_store %arg9[%swap3A_39], %broadcast_in_dim3A_38 {strides = array<i32>} : memref<128xi32, #tpu.memory_space<vmem>>, vector<16xi32>,
      %broadcast_in_dim3A_41 = arith.constant 0xFF800000 : f32
      %broadcast_in_dim3A_42 = vector.broadcast %broadcast_in_dim3A_41 : f32 to vector<16xf32>
      %swap3A_43 = arith.constant 80 : index
      %swap3A_44 = tpu.vector_load %arg8[%swap3A_43] {strides = array<i32>} : memref<128xf32, #tpu.memory_space<vmem>>, vector<16xf32>,
      tpu.vector_store %arg8[%swap3A_43], %broadcast_in_dim3A_42 {strides = array<i32>} : memref<128xf32, #tpu.memory_space<vmem>>, vector<16xf32>,
      %broadcast_in_dim3A_45 = arith.constant 8192 : i32
      %broadcast_in_dim3A_46 = vector.broadcast %broadcast_in_dim3A_45 : i32 to vector<16xi32>
      %swap3A_47 = arith.constant 80 : index
      %swap3A_48 = tpu.vector_load %arg9[%swap3A_47] {strides = array<i32>} : memref<128xi32, #tpu.memory_space<vmem>>, vector<16xi32>,
      tpu.vector_store %arg9[%swap3A_47], %broadcast_in_dim3A_46 {strides = array<i32>} : memref<128xi32, #tpu.memory_space<vmem>>, vector<16xi32>,
      %broadcast_in_dim3A_49 = arith.constant 0xFF800000 : f32
      %broadcast_in_dim3A_50 = vector.broadcast %broadcast_in_dim3A_49 : f32 to vector<16xf32>
      %swap3A_51 = arith.constant 96 : index
      %swap3A_52 = tpu.vector_load %arg8[%swap3A_51] {strides = array<i32>} : memref<128xf32, #tpu.memory_space<vmem>>, vector<16xf32>,
      tpu.vector_store %arg8[%swap3A_51], %broadcast_in_dim3A_50 {strides = array<i32>} : memref<128xf32, #tpu.memory_space<vmem>>, vector<16xf32>,
      %broadcast_in_dim3A_53 = arith.constant 8192 : i32
      %broadcast_in_dim3A_54 = vector.broadcast %broadcast_in_dim3A_53 : i32 to vector<16xi32>
      %swap3A_55 = arith.constant 96 : index
      %swap3A_56 = tpu.vector_load %arg9[%swap3A_55] {strides = array<i32>} : memref<128xi32, #tpu.memory_space<vmem>>, vector<16xi32>,
      tpu.vector_store %arg9[%swap3A_55], %broadcast_in_dim3A_54 {strides = array<i32>} : memref<128xi32, #tpu.memory_space<vmem>>, vector<16xi32>,
      %broadcast_in_dim3A_57 = arith.constant 0xFF800000 : f32
      %broadcast_in_dim3A_58 = vector.broadcast %broadcast_in_dim3A_57 : f32 to vector<16xf32>
      %swap3A_59 = arith.constant 112 : index
      %swap3A_60 = tpu.vector_load %arg8[%swap3A_59] {strides = array<i32>} : memref<128xf32, #tpu.memory_space<vmem>>, vector<16xf32>,
      tpu.vector_store %arg8[%swap3A_59], %broadcast_in_dim3A_58 {strides = array<i32>} : memref<128xf32, #tpu.memory_space<vmem>>, vector<16xf32>,
      %broadcast_in_dim3A_61 = arith.constant 8192 : i32
      %broadcast_in_dim3A_62 = vector.broadcast %broadcast_in_dim3A_61 : i32 to vector<16xi32>
      %swap3A_63 = arith.constant 112 : index
      %swap3A_64 = tpu.vector_load %arg9[%swap3A_63] {strides = array<i32>} : memref<128xi32, #tpu.memory_space<vmem>>, vector<16xi32>,
      tpu.vector_store %arg9[%swap3A_63], %broadcast_in_dim3A_62 {strides = array<i32>} : memref<128xi32, #tpu.memory_space<vmem>>, vector<16xi32>,
      %get3A = arith.constant 0 : index
      %get3A_65 = tpu.vector_load %arg7[%get3A] {strides = array<i32>} : memref<16xf32, #tpu.memory_space<vmem>>, vector<16xf32>,
      %mul3A_66 = arith.constant 512 : i32
      %mul3A_67 = arith.muli %arg1, %mul3A_66 : i32
      %iota3A = tpu.iota {dimensions = array<i32: 0>} : vector<16xi32>
      %scan3A = arith.constant 0 : i32
      %scan3A_68 = arith.constant 0 : i32
      %scan3A_69 = arith.constant 32 : i32
      %scan3A_70 = arith.addi %scan3A_68, %scan3A_69 : i32
      %scan3A_71 = arith.constant 1 : i32
      %scan3A_72 = scf.for %scan3A_78 = %scan3A_68 to %scan3A_70 step %scan3A_71 iter_args(%scan3A_79 = %scan3A) -> (i32)  : i32 {
        %mul3A_80 = arith.constant 16 : i32
        %mul3A_81 = arith.muli %scan3A_78, %mul3A_80 : i32
        %get3A_82 = arith.index_cast %mul3A_81 : i32 to index
        %get3A_83 = tpu.vector_load %arg6[%get3A_82] {strides = array<i32>} : memref<512xf32, #tpu.memory_space<vmem>>, vector<16xf32>,
        %ge3A = arith.cmpf oge, %get3A_83, %get3A_65 : vector<16xf32>
        %jit3A = arith.constant 0 : i32
        %jit3A_84 = arith.constant 1024 : i32
        %broadcast_in_dim3A_85 = vector.broadcast %jit3A : i32 to vector<16xi32>
        %broadcast_in_dim3A_86 = vector.broadcast %jit3A_84 : i32 to vector<16xi32>
        %select_n3A = arith.select %ge3A, %broadcast_in_dim3A_85, %broadcast_in_dim3A_86 : vector<16xi1>, vector<16xi32>
        %add3A = arith.addi %iota3A, %select_n3A : vector<16xi32>
        %masked_sort3A = arith.constant dense<true> : vector<16xi1>
        %masked_sort3A_87 = arith.constant -2147483648 : i32
        %masked_sort3A_88 = vector.broadcast %masked_sort3A_87 : i32 to vector<16xi32>
        %masked_sort3A_89 = arith.xori %add3A, %masked_sort3A_88 : vector<16xi32>
        %masked_sort3A_90, %masked_sort3A_91, %masked_sort3A_92 = tpu.sort %masked_sort3A_89, %get3A_83 masked %masked_sort3A : (vector<16xi32>, vector<16xf32>, vector<16xi1>) -> (vector<16xi1>, vector<16xi32>, vector<16xf32>)
        %masked_sort3A_93 = arith.xori %masked_sort3A_91, %masked_sort3A_88 : vector<16xi32>
        %mul3A_94 = arith.constant 16 : i32
        %mul3A_95 = arith.muli %scan3A_78, %mul3A_94 : i32
        %add3A_96 = arith.addi %mul3A_67, %mul3A_95 : i32
        %add3A_97 = vector.broadcast %add3A_96 : i32 to vector<16xi32>
        %add3A_98 = arith.addi %iota3A, %add3A_97 : vector<16xi32>
        %masked_sort3A_99 = arith.constant dense<true> : vector<16xi1>
        %masked_sort3A_100 = arith.constant -2147483648 : i32
        %masked_sort3A_101 = vector.broadcast %masked_sort3A_100 : i32 to vector<16xi32>
        %masked_sort3A_102 = arith.xori %add3A, %masked_sort3A_101 : vector<16xi32>
        %masked_sort3A_103, %masked_sort3A_104, %masked_sort3A_105 = tpu.sort %masked_sort3A_102, %add3A_98 masked %masked_sort3A_99 : (vector<16xi32>, vector<16xi32>, vector<16xi1>) -> (vector<16xi1>, vector<16xi32>, vector<16xi32>)
        %masked_sort3A_106 = arith.xori %masked_sort3A_104, %masked_sort3A_101 : vector<16xi32>
        %min3A = arith.constant 112 : i32
        %min3A_107 = arith.minsi %scan3A_79, %min3A : i32
        %swap3A_108 = arith.index_cast %min3A_107 : i32 to index
        %swap3A_109 = tpu.vector_load %arg8[%swap3A_108] {strides = array<i32>} : memref<128xf32, #tpu.memory_space<vmem>>, vector<16xf32>,
        tpu.vector_store %arg8[%swap3A_108], %masked_sort3A_92 {strides = array<i32>} : memref<128xf32, #tpu.memory_space<vmem>>, vector<16xf32>,
        %swap3A_110 = arith.index_cast %min3A_107 : i32 to index
        %swap3A_111 = tpu.vector_load %arg9[%swap3A_110] {strides = array<i32>} : memref<128xi32, #tpu.memory_space<vmem>>, vector<16xi32>,
        tpu.vector_store %arg9[%swap3A_110], %masked_sort3A_105 {strides = array<i32>} : memref<128xi32, #tpu.memory_space<vmem>>, vector<16xi32>,
        %jit3A_112 = arith.constant 1 : i32
        %jit3A_113 = arith.constant 0 : i32
        %broadcast_in_dim3A_114 = vector.broadcast %jit3A_112 : i32 to vector<16xi32>
        %broadcast_in_dim3A_115 = vector.broadcast %jit3A_113 : i32 to vector<16xi32>
        %select_n3A_116 = arith.select %ge3A, %broadcast_in_dim3A_114, %broadcast_in_dim3A_115 : vector<16xi1>, vector<16xi32>
        %broadcast_in_dim3A_117 = arith.constant true
        %broadcast_in_dim3A_118 = vector.broadcast %broadcast_in_dim3A_117 : i1 to vector<16xi1>
        %masked_cumsum3A = tpu.scan <sum>, %select_n3A_116 masked %broadcast_in_dim3A_118 : vector<16xi32>, vector<16xi1> -> vector<16xi32>
        %slice3A = vector.extract_strided_slice %masked_cumsum3A {offsets = [15], sizes = [1], strides = [1]} : vector<16xi32> to vector<1xi32>
        %squeeze3A = vector.extract %slice3A[0] : i32 from vector<1xi32>
        %add3A_119 = arith.addi %scan3A_79, %squeeze3A : i32
        scf.yield %add3A_119 : i32
      }
      %scan3A_73 = arith.constant 32 : i32
      %mul3A_74 = arith.constant 112 : i32
      %mul3A_75 = arith.muli %arg1, %mul3A_74 : i32
      "tpu.region"() ({
        %run_scoped3A = tpu.sem_alloc : memref<!tpu.dma_semaphore, #tpu.memory_space<semaphore_mem>>
        %dma_start3A = arith.constant 0 : i32
        %dma_start3A_78 = tpu.memref_slice %arg8[%dma_start3A] : memref<128xf32, #tpu.memory_space<vmem>> -> memref<112xf32, #tpu.memory_space<vmem>>
        %dma_start3A_79 = tpu.memref_slice %arg4[%mul3A_75] : memref<1792xf32, #tpu.memory_space<hbm>> -> memref<112xf32, #tpu.memory_space<hbm>>
        %dma_start3A_80 = tpu.memref_slice %arg4[%mul3A_75] : memref<1792xf32, #tpu.memory_space<hbm>> -> memref<112xf32, #tpu.memory_space<hbm>>
        %dma_start3A_81 = arith.constant 0 : i32
        %dma_start3A_82 = tpu.memref_slice %arg8[%dma_start3A_81] : memref<128xf32, #tpu.memory_space<vmem>> -> memref<112xf32, #tpu.memory_space<vmem>>
        tpu.enqueue_dma source(%dma_start3A_82 : memref<112xf32, #tpu.memory_space<vmem>>) target(%dma_start3A_80 : memref<112xf32, #tpu.memory_space<hbm>>) target_semaphore(%run_scoped3A : memref<!tpu.dma_semaphore, #tpu.memory_space<semaphore_mem>>)
        %dma_wait3A = arith.constant 0 : i32
        %dma_wait3A_83 = tpu.memref_slice %arg8[%dma_wait3A] : memref<128xf32, #tpu.memory_space<vmem>> -> memref<112xf32, #tpu.memory_space<vmem>>
        %dma_wait3A_84 = tpu.memref_slice %arg4[%mul3A_75] : memref<1792xf32, #tpu.memory_space<hbm>> -> memref<112xf32, #tpu.memory_space<hbm>>
        %dma_wait3A_85 = tpu.memref_slice %arg4[%mul3A_75] : memref<1792xf32, #tpu.memory_space<hbm>> -> memref<112xf32, #tpu.memory_space<hbm>>
        %dma_wait3A_86 = arith.constant 0 : i32
        %dma_wait3A_87 = tpu.memref_slice %arg8[%dma_wait3A_86] : memref<128xf32, #tpu.memory_space<vmem>> -> memref<112xf32, #tpu.memory_space<vmem>>
        tpu.wait_dma2 semaphore(%run_scoped3A : memref<!tpu.dma_semaphore, #tpu.memory_space<semaphore_mem>>) src(%dma_wait3A_87 : memref<112xf32, #tpu.memory_space<vmem>>) dst(%dma_wait3A_85 : memref<112xf32, #tpu.memory_space<hbm>>)
        tpu.yield
      }) : () -> ()
      %mul3A_76 = arith.constant 112 : i32
      %mul3A_77 = arith.muli %arg1, %mul3A_76 : i32
      "tpu.region"() ({
        %run_scoped3A = tpu.sem_alloc : memref<!tpu.dma_semaphore, #tpu.memory_space<semaphore_mem>>
        %dma_start3A = arith.constant 0 : i32
        %dma_start3A_78 = tpu.memref_slice %arg9[%dma_start3A] : memref<128xi32, #tpu.memory_space<vmem>> -> memref<112xi32, #tpu.memory_space<vmem>>
        %dma_start3A_79 = tpu.memref_slice %arg5[%mul3A_77] : memref<1792xi32, #tpu.memory_space<hbm>> -> memref<112xi32, #tpu.memory_space<hbm>>
        %dma_start3A_80 = tpu.memref_slice %arg5[%mul3A_77] : memref<1792xi32, #tpu.memory_space<hbm>> -> memref<112xi32, #tpu.memory_space<hbm>>
        %dma_start3A_81 = arith.constant 0 : i32
        %dma_start3A_82 = tpu.memref_slice %arg9[%dma_start3A_81] : memref<128xi32, #tpu.memory_space<vmem>> -> memref<112xi32, #tpu.memory_space<vmem>>
        tpu.enqueue_dma source(%dma_start3A_82 : memref<112xi32, #tpu.memory_space<vmem>>) target(%dma_start3A_80 : memref<112xi32, #tpu.memory_space<hbm>>) target_semaphore(%run_scoped3A : memref<!tpu.dma_semaphore, #tpu.memory_space<semaphore_mem>>)
        %dma_wait3A = arith.constant 0 : i32
        %dma_wait3A_83 = tpu.memref_slice %arg9[%dma_wait3A] : memref<128xi32, #tpu.memory_space<vmem>> -> memref<112xi32, #tpu.memory_space<vmem>>
        %dma_wait3A_84 = tpu.memref_slice %arg5[%mul3A_77] : memref<1792xi32, #tpu.memory_space<hbm>> -> memref<112xi32, #tpu.memory_space<hbm>>
        %dma_wait3A_85 = tpu.memref_slice %arg5[%mul3A_77] : memref<1792xi32, #tpu.memory_space<hbm>> -> memref<112xi32, #tpu.memory_space<hbm>>
        %dma_wait3A_86 = arith.constant 0 : i32
        %dma_wait3A_87 = tpu.memref_slice %arg9[%dma_wait3A_86] : memref<128xi32, #tpu.memory_space<vmem>> -> memref<112xi32, #tpu.memory_space<vmem>>
        tpu.wait_dma2 semaphore(%run_scoped3A : memref<!tpu.dma_semaphore, #tpu.memory_space<semaphore_mem>>) src(%dma_wait3A_87 : memref<112xi32, #tpu.memory_space<vmem>>) dst(%dma_wait3A_85 : memref<112xi32, #tpu.memory_space<hbm>>)
        tpu.yield
      }) : () -> ()
    } else {
    }
    return
  }
}

module attributes {stable_mosaic.version = 14 : i64} {
  func.func @_tri_body(%arg0: i32, %arg1: memref<8192x256xf32, #tpu.memory_space<vmem>>, %arg2: memref<8192x1xf32, #tpu.memory_space<vmem>>, %arg3: memref<1x8192xf32, #tpu.memory_space<vmem>>, %arg4: memref<8192x1xf32, #tpu.memory_space<vmem>>, %arg5: memref<1x8192xf32, #tpu.memory_space<vmem>>) attributes {dimension_semantics = [#tpu.dimension_semantics<arbitrary>], iteration_bounds = array<i64: 9>, scalar_prefetch = 0 : i64, scratch_operands = 0 : i64, tpu.core_type = #tpu.core_type<tc>, window_params = [{pipeline_mode = #tpu.pipeline_mode<synchronous>, transform_indices = @transform_0, window_bounds = array<i64: 8192, 256>}, {pipeline_mode = #tpu.pipeline_mode<synchronous>, transform_indices = @transform_1, window_bounds = array<i64: 8192, 1>}, {pipeline_mode = #tpu.pipeline_mode<synchronous>, transform_indices = @transform_2, window_bounds = array<i64: 1, 8192>}, {pipeline_mode = #tpu.pipeline_mode<synchronous>, transform_indices = @transform_3, window_bounds = array<i64: 8192, 1>}, {pipeline_mode = #tpu.pipeline_mode<synchronous>, transform_indices = @transform_4, window_bounds = array<i64: 1, 8192>}]} {
    %mul3A = arith.constant 4 : i32
    %mul3A_0 = arith.muli %arg0, %mul3A : i32
    %add3A = arith.constant 0 : i32
    %add3A_1 = arith.addi %mul3A_0, %add3A : i32
    %ge3A = arith.constant 8 : i32
    %ge3A_2 = arith.cmpi sge, %add3A_1, %ge3A : i32
    %jit3A = arith.constant 1 : i32
    %jit3A_3 = arith.constant 0 : i32
    %select_n3A = arith.select %ge3A_2, %jit3A, %jit3A_3 : i32
    %add3A_4 = arith.constant 0 : i32
    %add3A_5 = arith.addi %add3A_4, %select_n3A : i32
    %ge3A_6 = arith.constant 15 : i32
    %ge3A_7 = arith.cmpi sge, %add3A_1, %ge3A_6 : i32
    %jit3A_8 = arith.constant 1 : i32
    %jit3A_9 = arith.constant 0 : i32
    %select_n3A_10 = arith.select %ge3A_7, %jit3A_8, %jit3A_9 : i32
    %add3A_11 = arith.addi %add3A_5, %select_n3A_10 : i32
    %ge3A_12 = arith.constant 21 : i32
    %ge3A_13 = arith.cmpi sge, %add3A_1, %ge3A_12 : i32
    %jit3A_14 = arith.constant 1 : i32
    %jit3A_15 = arith.constant 0 : i32
    %select_n3A_16 = arith.select %ge3A_13, %jit3A_14, %jit3A_15 : i32
    %add3A_17 = arith.addi %add3A_11, %select_n3A_16 : i32
    %ge3A_18 = arith.constant 26 : i32
    %ge3A_19 = arith.cmpi sge, %add3A_1, %ge3A_18 : i32
    %jit3A_20 = arith.constant 1 : i32
    %jit3A_21 = arith.constant 0 : i32
    %select_n3A_22 = arith.select %ge3A_19, %jit3A_20, %jit3A_21 : i32
    %add3A_23 = arith.addi %add3A_17, %select_n3A_22 : i32
    %ge3A_24 = arith.constant 30 : i32
    %ge3A_25 = arith.cmpi sge, %add3A_1, %ge3A_24 : i32
    %jit3A_26 = arith.constant 1 : i32
    %jit3A_27 = arith.constant 0 : i32
    %select_n3A_28 = arith.select %ge3A_25, %jit3A_26, %jit3A_27 : i32
    %add3A_29 = arith.addi %add3A_23, %select_n3A_28 : i32
    %ge3A_30 = arith.constant 33 : i32
    %ge3A_31 = arith.cmpi sge, %add3A_1, %ge3A_30 : i32
    %jit3A_32 = arith.constant 1 : i32
    %jit3A_33 = arith.constant 0 : i32
    %select_n3A_34 = arith.select %ge3A_31, %jit3A_32, %jit3A_33 : i32
    %add3A_35 = arith.addi %add3A_29, %select_n3A_34 : i32
    %ge3A_36 = arith.constant 35 : i32
    %ge3A_37 = arith.cmpi sge, %add3A_1, %ge3A_36 : i32
    %jit3A_38 = arith.constant 1 : i32
    %jit3A_39 = arith.constant 0 : i32
    %select_n3A_40 = arith.select %ge3A_37, %jit3A_38, %jit3A_39 : i32
    %add3A_41 = arith.addi %add3A_35, %select_n3A_40 : i32
    %mul3A_42 = arith.constant 8 : i32
    %mul3A_43 = arith.muli %add3A_41, %mul3A_42 : i32
    %sub3A = arith.constant 1 : i32
    %sub3A_44 = arith.subi %add3A_41, %sub3A : i32
    %mul3A_45 = arith.muli %add3A_41, %sub3A_44 : i32
    %jit3A_46 = arith.constant 2 : i32
    %div3A = arith.divsi %mul3A_45, %jit3A_46 : i32
    %sign3A = arith.constant 0 : i32
    %sign3A_47 = arith.cmpi sgt, %mul3A_45, %sign3A : i32
    %sign3A_48 = arith.extui %sign3A_47 : i1 to i32
    %sign3A_49 = arith.constant 0 : i32
    %sign3A_50 = arith.cmpi slt, %mul3A_45, %sign3A_49 : i32
    %sign3A_51 = arith.extui %sign3A_50 : i1 to i32
    %sign3A_52 = arith.subi %sign3A_48, %sign3A_51 : i32
    %sign3A_53 = arith.constant 0 : i32
    %sign3A_54 = arith.cmpi sgt, %jit3A_46, %sign3A_53 : i32
    %sign3A_55 = arith.extui %sign3A_54 : i1 to i32
    %sign3A_56 = arith.constant 0 : i32
    %sign3A_57 = arith.cmpi slt, %jit3A_46, %sign3A_56 : i32
    %sign3A_58 = arith.extui %sign3A_57 : i1 to i32
    %sign3A_59 = arith.subi %sign3A_55, %sign3A_58 : i32
    %ne3A = arith.cmpi ne, %sign3A_52, %sign3A_59 : i32
    %rem3A = arith.remsi %mul3A_45, %jit3A_46 : i32
    %ne3A_60 = arith.constant 0 : i32
    %ne3A_61 = arith.cmpi ne, %rem3A, %ne3A_60 : i32
    %and3A = arith.andi %ne3A, %ne3A_61 : i1
    %sub3A_62 = arith.constant 1 : i32
    %sub3A_63 = arith.subi %div3A, %sub3A_62 : i32
    %select_n3A_64 = arith.select %and3A, %sub3A_63, %div3A : i32
    %sub3A_65 = arith.subi %mul3A_43, %select_n3A_64 : i32
    %sub3A_66 = arith.subi %add3A_1, %sub3A_65 : i32
    %add3A_67 = arith.addi %add3A_41, %sub3A_66 : i32
    %mul3A_68 = arith.constant 1024 : i32
    %mul3A_69 = arith.muli %add3A_41, %mul3A_68 : i32
    %get3A = arith.index_cast %mul3A_69 : i32 to index
    %get3A_70 = arith.constant 0 : index
    %get3A_71 = vector.load %arg1[%get3A, %get3A_70] : memref<8192x256xf32, #tpu.memory_space<vmem>>, vector<1024x256xf32>
    %mul3A_72 = arith.constant 1024 : i32
    %mul3A_73 = arith.muli %add3A_67, %mul3A_72 : i32
    %get3A_74 = arith.index_cast %mul3A_73 : i32 to index
    %get3A_75 = arith.constant 0 : index
    %get3A_76 = vector.load %arg1[%get3A_74, %get3A_75] : memref<8192x256xf32, #tpu.memory_space<vmem>>, vector<1024x256xf32>
    %dot_general3A = arith.constant dense<0.000000e+00> : vector<1024x1024xf32>
    %dot_general3A_77 = tpu.matmul %get3A_71, %get3A_76, %dot_general3A {dimension_numbers = #tpu.dot_dimension_numbers<[1], [1], [0], [0], [0, 0, 1, 0], [], []>, transpose_lhs_hint = false} : vector<1024x256xf32>, vector<1024x256xf32>, vector<1024x1024xf32> -> vector<1024x1024xf32>
    %mul3A_78 = arith.constant 1024 : i32
    %mul3A_79 = arith.muli %add3A_41, %mul3A_78 : i32
    %get3A_80 = arith.index_cast %mul3A_79 : i32 to index
    %get3A_81 = arith.constant 0 : index
    %get3A_82 = vector.load %arg2[%get3A_80, %get3A_81] : memref<8192x1xf32, #tpu.memory_space<vmem>>, vector<1024x1xf32>
    %mul3A_83 = arith.constant 1024 : i32
    %mul3A_84 = arith.muli %add3A_67, %mul3A_83 : i32
    %get3A_85 = arith.constant 0 : index
    %get3A_86 = arith.index_cast %mul3A_84 : i32 to index
    %get3A_87 = vector.load %arg3[%get3A_85, %get3A_86] : memref<1x8192xf32, #tpu.memory_space<vmem>>, vector<1x1024xf32>
    %mul3A_88 = vector.broadcast %get3A_82 : vector<1024x1xf32> to vector<1024x1024xf32>
    %mul3A_89 = vector.broadcast %get3A_87 : vector<1x1024xf32> to vector<1024x1024xf32>
    %mul3A_90 = arith.mulf %mul3A_88, %mul3A_89 : vector<1024x1024xf32>
    %div3A_91 = arith.divf %dot_general3A_77, %mul3A_90 : vector<1024x1024xf32>
    %iota3A = tpu.iota {dimensions = array<i32: 0>} : vector<1024x1024xi32>
    %iota3A_92 = tpu.iota {dimensions = array<i32: 1>} : vector<1024x1024xi32>
    %eq3A = arith.cmpi eq, %iota3A, %iota3A_92 : vector<1024x1024xi32>
    %eq3A_93 = arith.cmpi eq, %add3A_41, %add3A_67 : i32
    %and3A_94 = vector.broadcast %eq3A_93 : i1 to vector<1024x1024xi1>
    %and3A_95 = arith.andi %eq3A, %and3A_94 : vector<1024x1024xi1>
    %jit3A_96 = arith.constant 0xFF800000 : f32
    %broadcast_in_dim3A = vector.broadcast %jit3A_96 : f32 to vector<1024x1024xf32>
    %select_n3A_97 = arith.select %and3A_95, %broadcast_in_dim3A, %div3A_91 : vector<1024x1024xi1>, vector<1024x1024xf32>
    %reduce_max3A = arith.constant dense<0xFF800000> : vector<1024xf32>
    %reduce_max3A_98 = vector.multi_reduction <maximumf>, %select_n3A_97, %reduce_max3A [1] : vector<1024x1024xf32> to vector<1024xf32>
    %broadcast_in_dim3A_99 = vector.shape_cast %reduce_max3A_98 : vector<1024xf32> to vector<1024x1xf32>
    %reduce_max3A_100 = arith.constant dense<0xFF800000> : vector<1024xf32>
    %reduce_max3A_101 = vector.multi_reduction <maximumf>, %select_n3A_97, %reduce_max3A_100 [0] : vector<1024x1024xf32> to vector<1024xf32>
    %broadcast_in_dim3A_102 = vector.shape_cast %reduce_max3A_101 : vector<1024xf32> to vector<1x1024xf32>
    %mul3A_103 = arith.constant 1024 : i32
    %mul3A_104 = arith.muli %add3A_41, %mul3A_103 : i32
    %get3A_105 = arith.index_cast %mul3A_104 : i32 to index
    %get3A_106 = arith.constant 0 : index
    %get3A_107 = vector.load %arg4[%get3A_105, %get3A_106] : memref<8192x1xf32, #tpu.memory_space<vmem>>, vector<1024x1xf32>
    %eq3A_108 = arith.cmpi eq, %add3A_67, %add3A_41 : i32
    %max3A = arith.maximumf %get3A_107, %broadcast_in_dim3A_99 : vector<1024x1xf32>
    %select_n3A_109 = arith.select %eq3A_108, %broadcast_in_dim3A_99, %max3A : vector<1024x1xf32>
    %mul3A_110 = arith.constant 1024 : i32
    %mul3A_111 = arith.muli %add3A_41, %mul3A_110 : i32
    %swap3A = arith.index_cast %mul3A_111 : i32 to index
    %swap3A_112 = arith.constant 0 : index
    %swap3A_113 = vector.load %arg4[%swap3A, %swap3A_112] : memref<8192x1xf32, #tpu.memory_space<vmem>>, vector<1024x1xf32>
    tpu.vector_store %arg4[%swap3A, %swap3A_112], %select_n3A_109 {strides = array<i32>} : memref<8192x1xf32, #tpu.memory_space<vmem>>, vector<1024x1xf32>,
    %mul3A_114 = arith.constant 1024 : i32
    %mul3A_115 = arith.muli %add3A_67, %mul3A_114 : i32
    %get3A_116 = arith.constant 0 : index
    %get3A_117 = arith.index_cast %mul3A_115 : i32 to index
    %get3A_118 = vector.load %arg5[%get3A_116, %get3A_117] : memref<1x8192xf32, #tpu.memory_space<vmem>>, vector<1x1024xf32>
    %eq3A_119 = arith.constant 0 : i32
    %eq3A_120 = arith.cmpi eq, %add3A_41, %eq3A_119 : i32
    %max3A_121 = arith.maximumf %get3A_118, %broadcast_in_dim3A_102 : vector<1x1024xf32>
    %select_n3A_122 = arith.select %eq3A_120, %broadcast_in_dim3A_102, %max3A_121 : vector<1x1024xf32>
    %mul3A_123 = arith.constant 1024 : i32
    %mul3A_124 = arith.muli %add3A_67, %mul3A_123 : i32
    %swap3A_125 = arith.constant 0 : index
    %swap3A_126 = arith.index_cast %mul3A_124 : i32 to index
    %swap3A_127 = vector.load %arg5[%swap3A_125, %swap3A_126] : memref<1x8192xf32, #tpu.memory_space<vmem>>, vector<1x1024xf32>
    tpu.vector_store %arg5[%swap3A_125, %swap3A_126], %select_n3A_122 {strides = array<i32>} : memref<1x8192xf32, #tpu.memory_space<vmem>>, vector<1x1024xf32>,
    %mul3A_128 = arith.constant 4 : i32
    %mul3A_129 = arith.muli %arg0, %mul3A_128 : i32
    %add3A_130 = arith.constant 1 : i32
    %add3A_131 = arith.addi %mul3A_129, %add3A_130 : i32
    %ge3A_132 = arith.constant 8 : i32
    %ge3A_133 = arith.cmpi sge, %add3A_131, %ge3A_132 : i32
    %jit3A_134 = arith.constant 1 : i32
    %jit3A_135 = arith.constant 0 : i32
    %select_n3A_136 = arith.select %ge3A_133, %jit3A_134, %jit3A_135 : i32
    %add3A_137 = arith.constant 0 : i32
    %add3A_138 = arith.addi %add3A_137, %select_n3A_136 : i32
    %ge3A_139 = arith.constant 15 : i32
    %ge3A_140 = arith.cmpi sge, %add3A_131, %ge3A_139 : i32
    %jit3A_141 = arith.constant 1 : i32
    %jit3A_142 = arith.constant 0 : i32
    %select_n3A_143 = arith.select %ge3A_140, %jit3A_141, %jit3A_142 : i32
    %add3A_144 = arith.addi %add3A_138, %select_n3A_143 : i32
    %ge3A_145 = arith.constant 21 : i32
    %ge3A_146 = arith.cmpi sge, %add3A_131, %ge3A_145 : i32
    %jit3A_147 = arith.constant 1 : i32
    %jit3A_148 = arith.constant 0 : i32
    %select_n3A_149 = arith.select %ge3A_146, %jit3A_147, %jit3A_148 : i32
    %add3A_150 = arith.addi %add3A_144, %select_n3A_149 : i32
    %ge3A_151 = arith.constant 26 : i32
    %ge3A_152 = arith.cmpi sge, %add3A_131, %ge3A_151 : i32
    %jit3A_153 = arith.constant 1 : i32
    %jit3A_154 = arith.constant 0 : i32
    %select_n3A_155 = arith.select %ge3A_152, %jit3A_153, %jit3A_154 : i32
    %add3A_156 = arith.addi %add3A_150, %select_n3A_155 : i32
    %ge3A_157 = arith.constant 30 : i32
    %ge3A_158 = arith.cmpi sge, %add3A_131, %ge3A_157 : i32
    %jit3A_159 = arith.constant 1 : i32
    %jit3A_160 = arith.constant 0 : i32
    %select_n3A_161 = arith.select %ge3A_158, %jit3A_159, %jit3A_160 : i32
    %add3A_162 = arith.addi %add3A_156, %select_n3A_161 : i32
    %ge3A_163 = arith.constant 33 : i32
    %ge3A_164 = arith.cmpi sge, %add3A_131, %ge3A_163 : i32
    %jit3A_165 = arith.constant 1 : i32
    %jit3A_166 = arith.constant 0 : i32
    %select_n3A_167 = arith.select %ge3A_164, %jit3A_165, %jit3A_166 : i32
    %add3A_168 = arith.addi %add3A_162, %select_n3A_167 : i32
    %ge3A_169 = arith.constant 35 : i32
    %ge3A_170 = arith.cmpi sge, %add3A_131, %ge3A_169 : i32
    %jit3A_171 = arith.constant 1 : i32
    %jit3A_172 = arith.constant 0 : i32
    %select_n3A_173 = arith.select %ge3A_170, %jit3A_171, %jit3A_172 : i32
    %add3A_174 = arith.addi %add3A_168, %select_n3A_173 : i32
    %mul3A_175 = arith.constant 8 : i32
    %mul3A_176 = arith.muli %add3A_174, %mul3A_175 : i32
    %sub3A_177 = arith.constant 1 : i32
    %sub3A_178 = arith.subi %add3A_174, %sub3A_177 : i32
    %mul3A_179 = arith.muli %add3A_174, %sub3A_178 : i32
    %jit3A_180 = arith.constant 2 : i32
    %div3A_181 = arith.divsi %mul3A_179, %jit3A_180 : i32
    %sign3A_182 = arith.constant 0 : i32
    %sign3A_183 = arith.cmpi sgt, %mul3A_179, %sign3A_182 : i32
    %sign3A_184 = arith.extui %sign3A_183 : i1 to i32
    %sign3A_185 = arith.constant 0 : i32
    %sign3A_186 = arith.cmpi slt, %mul3A_179, %sign3A_185 : i32
    %sign3A_187 = arith.extui %sign3A_186 : i1 to i32
    %sign3A_188 = arith.subi %sign3A_184, %sign3A_187 : i32
    %sign3A_189 = arith.constant 0 : i32
    %sign3A_190 = arith.cmpi sgt, %jit3A_180, %sign3A_189 : i32
    %sign3A_191 = arith.extui %sign3A_190 : i1 to i32
    %sign3A_192 = arith.constant 0 : i32
    %sign3A_193 = arith.cmpi slt, %jit3A_180, %sign3A_192 : i32
    %sign3A_194 = arith.extui %sign3A_193 : i1 to i32
    %sign3A_195 = arith.subi %sign3A_191, %sign3A_194 : i32
    %ne3A_196 = arith.cmpi ne, %sign3A_188, %sign3A_195 : i32
    %rem3A_197 = arith.remsi %mul3A_179, %jit3A_180 : i32
    %ne3A_198 = arith.constant 0 : i32
    %ne3A_199 = arith.cmpi ne, %rem3A_197, %ne3A_198 : i32
    %and3A_200 = arith.andi %ne3A_196, %ne3A_199 : i1
    %sub3A_201 = arith.constant 1 : i32
    %sub3A_202 = arith.subi %div3A_181, %sub3A_201 : i32
    %select_n3A_203 = arith.select %and3A_200, %sub3A_202, %div3A_181 : i32
    %sub3A_204 = arith.subi %mul3A_176, %select_n3A_203 : i32
    %sub3A_205 = arith.subi %add3A_131, %sub3A_204 : i32
    %add3A_206 = arith.addi %add3A_174, %sub3A_205 : i32
    %mul3A_207 = arith.constant 1024 : i32
    %mul3A_208 = arith.muli %add3A_174, %mul3A_207 : i32
    %get3A_209 = arith.index_cast %mul3A_208 : i32 to index
    %get3A_210 = arith.constant 0 : index
    %get3A_211 = vector.load %arg1[%get3A_209, %get3A_210] : memref<8192x256xf32, #tpu.memory_space<vmem>>, vector<1024x256xf32>
    %mul3A_212 = arith.constant 1024 : i32
    %mul3A_213 = arith.muli %add3A_206, %mul3A_212 : i32
    %get3A_214 = arith.index_cast %mul3A_213 : i32 to index
    %get3A_215 = arith.constant 0 : index
    %get3A_216 = vector.load %arg1[%get3A_214, %get3A_215] : memref<8192x256xf32, #tpu.memory_space<vmem>>, vector<1024x256xf32>
    %dot_general3A_217 = arith.constant dense<0.000000e+00> : vector<1024x1024xf32>
    %dot_general3A_218 = tpu.matmul %get3A_211, %get3A_216, %dot_general3A_217 {dimension_numbers = #tpu.dot_dimension_numbers<[1], [1], [0], [0], [0, 0, 1, 0], [], []>, transpose_lhs_hint = false} : vector<1024x256xf32>, vector<1024x256xf32>, vector<1024x1024xf32> -> vector<1024x1024xf32>
    %mul3A_219 = arith.constant 1024 : i32
    %mul3A_220 = arith.muli %add3A_174, %mul3A_219 : i32
    %get3A_221 = arith.index_cast %mul3A_220 : i32 to index
    %get3A_222 = arith.constant 0 : index
    %get3A_223 = vector.load %arg2[%get3A_221, %get3A_222] : memref<8192x1xf32, #tpu.memory_space<vmem>>, vector<1024x1xf32>
    %mul3A_224 = arith.constant 1024 : i32
    %mul3A_225 = arith.muli %add3A_206, %mul3A_224 : i32
    %get3A_226 = arith.constant 0 : index
    %get3A_227 = arith.index_cast %mul3A_225 : i32 to index
    %get3A_228 = vector.load %arg3[%get3A_226, %get3A_227] : memref<1x8192xf32, #tpu.memory_space<vmem>>, vector<1x1024xf32>
    %mul3A_229 = vector.broadcast %get3A_223 : vector<1024x1xf32> to vector<1024x1024xf32>
    %mul3A_230 = vector.broadcast %get3A_228 : vector<1x1024xf32> to vector<1024x1024xf32>
    %mul3A_231 = arith.mulf %mul3A_229, %mul3A_230 : vector<1024x1024xf32>
    %div3A_232 = arith.divf %dot_general3A_218, %mul3A_231 : vector<1024x1024xf32>
    %iota3A_233 = tpu.iota {dimensions = array<i32: 0>} : vector<1024x1024xi32>
    %iota3A_234 = tpu.iota {dimensions = array<i32: 1>} : vector<1024x1024xi32>
    %eq3A_235 = arith.cmpi eq, %iota3A_233, %iota3A_234 : vector<1024x1024xi32>
    %eq3A_236 = arith.cmpi eq, %add3A_174, %add3A_206 : i32
    %and3A_237 = vector.broadcast %eq3A_236 : i1 to vector<1024x1024xi1>
    %and3A_238 = arith.andi %eq3A_235, %and3A_237 : vector<1024x1024xi1>
    %jit3A_239 = arith.constant 0xFF800000 : f32
    %broadcast_in_dim3A_240 = vector.broadcast %jit3A_239 : f32 to vector<1024x1024xf32>
    %select_n3A_241 = arith.select %and3A_238, %broadcast_in_dim3A_240, %div3A_232 : vector<1024x1024xi1>, vector<1024x1024xf32>
    %reduce_max3A_242 = arith.constant dense<0xFF800000> : vector<1024xf32>
    %reduce_max3A_243 = vector.multi_reduction <maximumf>, %select_n3A_241, %reduce_max3A_242 [1] : vector<1024x1024xf32> to vector<1024xf32>
    %broadcast_in_dim3A_244 = vector.shape_cast %reduce_max3A_243 : vector<1024xf32> to vector<1024x1xf32>
    %reduce_max3A_245 = arith.constant dense<0xFF800000> : vector<1024xf32>
    %reduce_max3A_246 = vector.multi_reduction <maximumf>, %select_n3A_241, %reduce_max3A_245 [0] : vector<1024x1024xf32> to vector<1024xf32>
    %broadcast_in_dim3A_247 = vector.shape_cast %reduce_max3A_246 : vector<1024xf32> to vector<1x1024xf32>
    %mul3A_248 = arith.constant 1024 : i32
    %mul3A_249 = arith.muli %add3A_174, %mul3A_248 : i32
    %get3A_250 = arith.index_cast %mul3A_249 : i32 to index
    %get3A_251 = arith.constant 0 : index
    %get3A_252 = vector.load %arg4[%get3A_250, %get3A_251] : memref<8192x1xf32, #tpu.memory_space<vmem>>, vector<1024x1xf32>
    %eq3A_253 = arith.cmpi eq, %add3A_206, %add3A_174 : i32
    %max3A_254 = arith.maximumf %get3A_252, %broadcast_in_dim3A_244 : vector<1024x1xf32>
    %select_n3A_255 = arith.select %eq3A_253, %broadcast_in_dim3A_244, %max3A_254 : vector<1024x1xf32>
    %mul3A_256 = arith.constant 1024 : i32
    %mul3A_257 = arith.muli %add3A_174, %mul3A_256 : i32
    %swap3A_258 = arith.index_cast %mul3A_257 : i32 to index
    %swap3A_259 = arith.constant 0 : index
    %swap3A_260 = vector.load %arg4[%swap3A_258, %swap3A_259] : memref<8192x1xf32, #tpu.memory_space<vmem>>, vector<1024x1xf32>
    tpu.vector_store %arg4[%swap3A_258, %swap3A_259], %select_n3A_255 {strides = array<i32>} : memref<8192x1xf32, #tpu.memory_space<vmem>>, vector<1024x1xf32>,
    %mul3A_261 = arith.constant 1024 : i32
    %mul3A_262 = arith.muli %add3A_206, %mul3A_261 : i32
    %get3A_263 = arith.constant 0 : index
    %get3A_264 = arith.index_cast %mul3A_262 : i32 to index
    %get3A_265 = vector.load %arg5[%get3A_263, %get3A_264] : memref<1x8192xf32, #tpu.memory_space<vmem>>, vector<1x1024xf32>
    %eq3A_266 = arith.constant 0 : i32
    %eq3A_267 = arith.cmpi eq, %add3A_174, %eq3A_266 : i32
    %max3A_268 = arith.maximumf %get3A_265, %broadcast_in_dim3A_247 : vector<1x1024xf32>
    %select_n3A_269 = arith.select %eq3A_267, %broadcast_in_dim3A_247, %max3A_268 : vector<1x1024xf32>
    %mul3A_270 = arith.constant 1024 : i32
    %mul3A_271 = arith.muli %add3A_206, %mul3A_270 : i32
    %swap3A_272 = arith.constant 0 : index
    %swap3A_273 = arith.index_cast %mul3A_271 : i32 to index
    %swap3A_274 = vector.load %arg5[%swap3A_272, %swap3A_273] : memref<1x8192xf32, #tpu.memory_space<vmem>>, vector<1x1024xf32>
    tpu.vector_store %arg5[%swap3A_272, %swap3A_273], %select_n3A_269 {strides = array<i32>} : memref<1x8192xf32, #tpu.memory_space<vmem>>, vector<1x1024xf32>,
    %mul3A_275 = arith.constant 4 : i32
    %mul3A_276 = arith.muli %arg0, %mul3A_275 : i32
    %add3A_277 = arith.constant 2 : i32
    %add3A_278 = arith.addi %mul3A_276, %add3A_277 : i32
    %ge3A_279 = arith.constant 8 : i32
    %ge3A_280 = arith.cmpi sge, %add3A_278, %ge3A_279 : i32
    %jit3A_281 = arith.constant 1 : i32
    %jit3A_282 = arith.constant 0 : i32
    %select_n3A_283 = arith.select %ge3A_280, %jit3A_281, %jit3A_282 : i32
    %add3A_284 = arith.constant 0 : i32
    %add3A_285 = arith.addi %add3A_284, %select_n3A_283 : i32
    %ge3A_286 = arith.constant 15 : i32
    %ge3A_287 = arith.cmpi sge, %add3A_278, %ge3A_286 : i32
    %jit3A_288 = arith.constant 1 : i32
    %jit3A_289 = arith.constant 0 : i32
    %select_n3A_290 = arith.select %ge3A_287, %jit3A_288, %jit3A_289 : i32
    %add3A_291 = arith.addi %add3A_285, %select_n3A_290 : i32
    %ge3A_292 = arith.constant 21 : i32
    %ge3A_293 = arith.cmpi sge, %add3A_278, %ge3A_292 : i32
    %jit3A_294 = arith.constant 1 : i32
    %jit3A_295 = arith.constant 0 : i32
    %select_n3A_296 = arith.select %ge3A_293, %jit3A_294, %jit3A_295 : i32
    %add3A_297 = arith.addi %add3A_291, %select_n3A_296 : i32
    %ge3A_298 = arith.constant 26 : i32
    %ge3A_299 = arith.cmpi sge, %add3A_278, %ge3A_298 : i32
    %jit3A_300 = arith.constant 1 : i32
    %jit3A_301 = arith.constant 0 : i32
    %select_n3A_302 = arith.select %ge3A_299, %jit3A_300, %jit3A_301 : i32
    %add3A_303 = arith.addi %add3A_297, %select_n3A_302 : i32
    %ge3A_304 = arith.constant 30 : i32
    %ge3A_305 = arith.cmpi sge, %add3A_278, %ge3A_304 : i32
    %jit3A_306 = arith.constant 1 : i32
    %jit3A_307 = arith.constant 0 : i32
    %select_n3A_308 = arith.select %ge3A_305, %jit3A_306, %jit3A_307 : i32
    %add3A_309 = arith.addi %add3A_303, %select_n3A_308 : i32
    %ge3A_310 = arith.constant 33 : i32
    %ge3A_311 = arith.cmpi sge, %add3A_278, %ge3A_310 : i32
    %jit3A_312 = arith.constant 1 : i32
    %jit3A_313 = arith.constant 0 : i32
    %select_n3A_314 = arith.select %ge3A_311, %jit3A_312, %jit3A_313 : i32
    %add3A_315 = arith.addi %add3A_309, %select_n3A_314 : i32
    %ge3A_316 = arith.constant 35 : i32
    %ge3A_317 = arith.cmpi sge, %add3A_278, %ge3A_316 : i32
    %jit3A_318 = arith.constant 1 : i32
    %jit3A_319 = arith.constant 0 : i32
    %select_n3A_320 = arith.select %ge3A_317, %jit3A_318, %jit3A_319 : i32
    %add3A_321 = arith.addi %add3A_315, %select_n3A_320 : i32
    %mul3A_322 = arith.constant 8 : i32
    %mul3A_323 = arith.muli %add3A_321, %mul3A_322 : i32
    %sub3A_324 = arith.constant 1 : i32
    %sub3A_325 = arith.subi %add3A_321, %sub3A_324 : i32
    %mul3A_326 = arith.muli %add3A_321, %sub3A_325 : i32
    %jit3A_327 = arith.constant 2 : i32
    %div3A_328 = arith.divsi %mul3A_326, %jit3A_327 : i32
    %sign3A_329 = arith.constant 0 : i32
    %sign3A_330 = arith.cmpi sgt, %mul3A_326, %sign3A_329 : i32
    %sign3A_331 = arith.extui %sign3A_330 : i1 to i32
    %sign3A_332 = arith.constant 0 : i32
    %sign3A_333 = arith.cmpi slt, %mul3A_326, %sign3A_332 : i32
    %sign3A_334 = arith.extui %sign3A_333 : i1 to i32
    %sign3A_335 = arith.subi %sign3A_331, %sign3A_334 : i32
    %sign3A_336 = arith.constant 0 : i32
    %sign3A_337 = arith.cmpi sgt, %jit3A_327, %sign3A_336 : i32
    %sign3A_338 = arith.extui %sign3A_337 : i1 to i32
    %sign3A_339 = arith.constant 0 : i32
    %sign3A_340 = arith.cmpi slt, %jit3A_327, %sign3A_339 : i32
    %sign3A_341 = arith.extui %sign3A_340 : i1 to i32
    %sign3A_342 = arith.subi %sign3A_338, %sign3A_341 : i32
    %ne3A_343 = arith.cmpi ne, %sign3A_335, %sign3A_342 : i32
    %rem3A_344 = arith.remsi %mul3A_326, %jit3A_327 : i32
    %ne3A_345 = arith.constant 0 : i32
    %ne3A_346 = arith.cmpi ne, %rem3A_344, %ne3A_345 : i32
    %and3A_347 = arith.andi %ne3A_343, %ne3A_346 : i1
    %sub3A_348 = arith.constant 1 : i32
    %sub3A_349 = arith.subi %div3A_328, %sub3A_348 : i32
    %select_n3A_350 = arith.select %and3A_347, %sub3A_349, %div3A_328 : i32
    %sub3A_351 = arith.subi %mul3A_323, %select_n3A_350 : i32
    %sub3A_352 = arith.subi %add3A_278, %sub3A_351 : i32
    %add3A_353 = arith.addi %add3A_321, %sub3A_352 : i32
    %mul3A_354 = arith.constant 1024 : i32
    %mul3A_355 = arith.muli %add3A_321, %mul3A_354 : i32
    %get3A_356 = arith.index_cast %mul3A_355 : i32 to index
    %get3A_357 = arith.constant 0 : index
    %get3A_358 = vector.load %arg1[%get3A_356, %get3A_357] : memref<8192x256xf32, #tpu.memory_space<vmem>>, vector<1024x256xf32>
    %mul3A_359 = arith.constant 1024 : i32
    %mul3A_360 = arith.muli %add3A_353, %mul3A_359 : i32
    %get3A_361 = arith.index_cast %mul3A_360 : i32 to index
    %get3A_362 = arith.constant 0 : index
    %get3A_363 = vector.load %arg1[%get3A_361, %get3A_362] : memref<8192x256xf32, #tpu.memory_space<vmem>>, vector<1024x256xf32>
    %dot_general3A_364 = arith.constant dense<0.000000e+00> : vector<1024x1024xf32>
    %dot_general3A_365 = tpu.matmul %get3A_358, %get3A_363, %dot_general3A_364 {dimension_numbers = #tpu.dot_dimension_numbers<[1], [1], [0], [0], [0, 0, 1, 0], [], []>, transpose_lhs_hint = false} : vector<1024x256xf32>, vector<1024x256xf32>, vector<1024x1024xf32> -> vector<1024x1024xf32>
    %mul3A_366 = arith.constant 1024 : i32
    %mul3A_367 = arith.muli %add3A_321, %mul3A_366 : i32
    %get3A_368 = arith.index_cast %mul3A_367 : i32 to index
    %get3A_369 = arith.constant 0 : index
    %get3A_370 = vector.load %arg2[%get3A_368, %get3A_369] : memref<8192x1xf32, #tpu.memory_space<vmem>>, vector<1024x1xf32>
    %mul3A_371 = arith.constant 1024 : i32
    %mul3A_372 = arith.muli %add3A_353, %mul3A_371 : i32
    %get3A_373 = arith.constant 0 : index
    %get3A_374 = arith.index_cast %mul3A_372 : i32 to index
    %get3A_375 = vector.load %arg3[%get3A_373, %get3A_374] : memref<1x8192xf32, #tpu.memory_space<vmem>>, vector<1x1024xf32>
    %mul3A_376 = vector.broadcast %get3A_370 : vector<1024x1xf32> to vector<1024x1024xf32>
    %mul3A_377 = vector.broadcast %get3A_375 : vector<1x1024xf32> to vector<1024x1024xf32>
    %mul3A_378 = arith.mulf %mul3A_376, %mul3A_377 : vector<1024x1024xf32>
    %div3A_379 = arith.divf %dot_general3A_365, %mul3A_378 : vector<1024x1024xf32>
    %iota3A_380 = tpu.iota {dimensions = array<i32: 0>} : vector<1024x1024xi32>
    %iota3A_381 = tpu.iota {dimensions = array<i32: 1>} : vector<1024x1024xi32>
    %eq3A_382 = arith.cmpi eq, %iota3A_380, %iota3A_381 : vector<1024x1024xi32>
    %eq3A_383 = arith.cmpi eq, %add3A_321, %add3A_353 : i32
    %and3A_384 = vector.broadcast %eq3A_383 : i1 to vector<1024x1024xi1>
    %and3A_385 = arith.andi %eq3A_382, %and3A_384 : vector<1024x1024xi1>
    %jit3A_386 = arith.constant 0xFF800000 : f32
    %broadcast_in_dim3A_387 = vector.broadcast %jit3A_386 : f32 to vector<1024x1024xf32>
    %select_n3A_388 = arith.select %and3A_385, %broadcast_in_dim3A_387, %div3A_379 : vector<1024x1024xi1>, vector<1024x1024xf32>
    %reduce_max3A_389 = arith.constant dense<0xFF800000> : vector<1024xf32>
    %reduce_max3A_390 = vector.multi_reduction <maximumf>, %select_n3A_388, %reduce_max3A_389 [1] : vector<1024x1024xf32> to vector<1024xf32>
    %broadcast_in_dim3A_391 = vector.shape_cast %reduce_max3A_390 : vector<1024xf32> to vector<1024x1xf32>
    %reduce_max3A_392 = arith.constant dense<0xFF800000> : vector<1024xf32>
    %reduce_max3A_393 = vector.multi_reduction <maximumf>, %select_n3A_388, %reduce_max3A_392 [0] : vector<1024x1024xf32> to vector<1024xf32>
    %broadcast_in_dim3A_394 = vector.shape_cast %reduce_max3A_393 : vector<1024xf32> to vector<1x1024xf32>
    %mul3A_395 = arith.constant 1024 : i32
    %mul3A_396 = arith.muli %add3A_321, %mul3A_395 : i32
    %get3A_397 = arith.index_cast %mul3A_396 : i32 to index
    %get3A_398 = arith.constant 0 : index
    %get3A_399 = vector.load %arg4[%get3A_397, %get3A_398] : memref<8192x1xf32, #tpu.memory_space<vmem>>, vector<1024x1xf32>
    %eq3A_400 = arith.cmpi eq, %add3A_353, %add3A_321 : i32
    %max3A_401 = arith.maximumf %get3A_399, %broadcast_in_dim3A_391 : vector<1024x1xf32>
    %select_n3A_402 = arith.select %eq3A_400, %broadcast_in_dim3A_391, %max3A_401 : vector<1024x1xf32>
    %mul3A_403 = arith.constant 1024 : i32
    %mul3A_404 = arith.muli %add3A_321, %mul3A_403 : i32
    %swap3A_405 = arith.index_cast %mul3A_404 : i32 to index
    %swap3A_406 = arith.constant 0 : index
    %swap3A_407 = vector.load %arg4[%swap3A_405, %swap3A_406] : memref<8192x1xf32, #tpu.memory_space<vmem>>, vector<1024x1xf32>
    tpu.vector_store %arg4[%swap3A_405, %swap3A_406], %select_n3A_402 {strides = array<i32>} : memref<8192x1xf32, #tpu.memory_space<vmem>>, vector<1024x1xf32>,
    %mul3A_408 = arith.constant 1024 : i32
    %mul3A_409 = arith.muli %add3A_353, %mul3A_408 : i32
    %get3A_410 = arith.constant 0 : index
    %get3A_411 = arith.index_cast %mul3A_409 : i32 to index
    %get3A_412 = vector.load %arg5[%get3A_410, %get3A_411] : memref<1x8192xf32, #tpu.memory_space<vmem>>, vector<1x1024xf32>
    %eq3A_413 = arith.constant 0 : i32
    %eq3A_414 = arith.cmpi eq, %add3A_321, %eq3A_413 : i32
    %max3A_415 = arith.maximumf %get3A_412, %broadcast_in_dim3A_394 : vector<1x1024xf32>
    %select_n3A_416 = arith.select %eq3A_414, %broadcast_in_dim3A_394, %max3A_415 : vector<1x1024xf32>
    %mul3A_417 = arith.constant 1024 : i32
    %mul3A_418 = arith.muli %add3A_353, %mul3A_417 : i32
    %swap3A_419 = arith.constant 0 : index
    %swap3A_420 = arith.index_cast %mul3A_418 : i32 to index
    %swap3A_421 = vector.load %arg5[%swap3A_419, %swap3A_420] : memref<1x8192xf32, #tpu.memory_space<vmem>>, vector<1x1024xf32>
    tpu.vector_store %arg5[%swap3A_419, %swap3A_420], %select_n3A_416 {strides = array<i32>} : memref<1x8192xf32, #tpu.memory_space<vmem>>, vector<1x1024xf32>,
    %mul3A_422 = arith.constant 4 : i32
    %mul3A_423 = arith.muli %arg0, %mul3A_422 : i32
    %add3A_424 = arith.constant 3 : i32
    %add3A_425 = arith.addi %mul3A_423, %add3A_424 : i32
    %ge3A_426 = arith.constant 8 : i32
    %ge3A_427 = arith.cmpi sge, %add3A_425, %ge3A_426 : i32
    %jit3A_428 = arith.constant 1 : i32
    %jit3A_429 = arith.constant 0 : i32
    %select_n3A_430 = arith.select %ge3A_427, %jit3A_428, %jit3A_429 : i32
    %add3A_431 = arith.constant 0 : i32
    %add3A_432 = arith.addi %add3A_431, %select_n3A_430 : i32
    %ge3A_433 = arith.constant 15 : i32
    %ge3A_434 = arith.cmpi sge, %add3A_425, %ge3A_433 : i32
    %jit3A_435 = arith.constant 1 : i32
    %jit3A_436 = arith.constant 0 : i32
    %select_n3A_437 = arith.select %ge3A_434, %jit3A_435, %jit3A_436 : i32
    %add3A_438 = arith.addi %add3A_432, %select_n3A_437 : i32
    %ge3A_439 = arith.constant 21 : i32
    %ge3A_440 = arith.cmpi sge, %add3A_425, %ge3A_439 : i32
    %jit3A_441 = arith.constant 1 : i32
    %jit3A_442 = arith.constant 0 : i32
    %select_n3A_443 = arith.select %ge3A_440, %jit3A_441, %jit3A_442 : i32
    %add3A_444 = arith.addi %add3A_438, %select_n3A_443 : i32
    %ge3A_445 = arith.constant 26 : i32
    %ge3A_446 = arith.cmpi sge, %add3A_425, %ge3A_445 : i32
    %jit3A_447 = arith.constant 1 : i32
    %jit3A_448 = arith.constant 0 : i32
    %select_n3A_449 = arith.select %ge3A_446, %jit3A_447, %jit3A_448 : i32
    %add3A_450 = arith.addi %add3A_444, %select_n3A_449 : i32
    %ge3A_451 = arith.constant 30 : i32
    %ge3A_452 = arith.cmpi sge, %add3A_425, %ge3A_451 : i32
    %jit3A_453 = arith.constant 1 : i32
    %jit3A_454 = arith.constant 0 : i32
    %select_n3A_455 = arith.select %ge3A_452, %jit3A_453, %jit3A_454 : i32
    %add3A_456 = arith.addi %add3A_450, %select_n3A_455 : i32
    %ge3A_457 = arith.constant 33 : i32
    %ge3A_458 = arith.cmpi sge, %add3A_425, %ge3A_457 : i32
    %jit3A_459 = arith.constant 1 : i32
    %jit3A_460 = arith.constant 0 : i32
    %select_n3A_461 = arith.select %ge3A_458, %jit3A_459, %jit3A_460 : i32
    %add3A_462 = arith.addi %add3A_456, %select_n3A_461 : i32
    %ge3A_463 = arith.constant 35 : i32
    %ge3A_464 = arith.cmpi sge, %add3A_425, %ge3A_463 : i32
    %jit3A_465 = arith.constant 1 : i32
    %jit3A_466 = arith.constant 0 : i32
    %select_n3A_467 = arith.select %ge3A_464, %jit3A_465, %jit3A_466 : i32
    %add3A_468 = arith.addi %add3A_462, %select_n3A_467 : i32
    %mul3A_469 = arith.constant 8 : i32
    %mul3A_470 = arith.muli %add3A_468, %mul3A_469 : i32
    %sub3A_471 = arith.constant 1 : i32
    %sub3A_472 = arith.subi %add3A_468, %sub3A_471 : i32
    %mul3A_473 = arith.muli %add3A_468, %sub3A_472 : i32
    %jit3A_474 = arith.constant 2 : i32
    %div3A_475 = arith.divsi %mul3A_473, %jit3A_474 : i32
    %sign3A_476 = arith.constant 0 : i32
    %sign3A_477 = arith.cmpi sgt, %mul3A_473, %sign3A_476 : i32
    %sign3A_478 = arith.extui %sign3A_477 : i1 to i32
    %sign3A_479 = arith.constant 0 : i32
    %sign3A_480 = arith.cmpi slt, %mul3A_473, %sign3A_479 : i32
    %sign3A_481 = arith.extui %sign3A_480 : i1 to i32
    %sign3A_482 = arith.subi %sign3A_478, %sign3A_481 : i32
    %sign3A_483 = arith.constant 0 : i32
    %sign3A_484 = arith.cmpi sgt, %jit3A_474, %sign3A_483 : i32
    %sign3A_485 = arith.extui %sign3A_484 : i1 to i32
    %sign3A_486 = arith.constant 0 : i32
    %sign3A_487 = arith.cmpi slt, %jit3A_474, %sign3A_486 : i32
    %sign3A_488 = arith.extui %sign3A_487 : i1 to i32
    %sign3A_489 = arith.subi %sign3A_485, %sign3A_488 : i32
    %ne3A_490 = arith.cmpi ne, %sign3A_482, %sign3A_489 : i32
    %rem3A_491 = arith.remsi %mul3A_473, %jit3A_474 : i32
    %ne3A_492 = arith.constant 0 : i32
    %ne3A_493 = arith.cmpi ne, %rem3A_491, %ne3A_492 : i32
    %and3A_494 = arith.andi %ne3A_490, %ne3A_493 : i1
    %sub3A_495 = arith.constant 1 : i32
    %sub3A_496 = arith.subi %div3A_475, %sub3A_495 : i32
    %select_n3A_497 = arith.select %and3A_494, %sub3A_496, %div3A_475 : i32
    %sub3A_498 = arith.subi %mul3A_470, %select_n3A_497 : i32
    %sub3A_499 = arith.subi %add3A_425, %sub3A_498 : i32
    %add3A_500 = arith.addi %add3A_468, %sub3A_499 : i32
    %mul3A_501 = arith.constant 1024 : i32
    %mul3A_502 = arith.muli %add3A_468, %mul3A_501 : i32
    %get3A_503 = arith.index_cast %mul3A_502 : i32 to index
    %get3A_504 = arith.constant 0 : index
    %get3A_505 = vector.load %arg1[%get3A_503, %get3A_504] : memref<8192x256xf32, #tpu.memory_space<vmem>>, vector<1024x256xf32>
    %mul3A_506 = arith.constant 1024 : i32
    %mul3A_507 = arith.muli %add3A_500, %mul3A_506 : i32
    %get3A_508 = arith.index_cast %mul3A_507 : i32 to index
    %get3A_509 = arith.constant 0 : index
    %get3A_510 = vector.load %arg1[%get3A_508, %get3A_509] : memref<8192x256xf32, #tpu.memory_space<vmem>>, vector<1024x256xf32>
    %dot_general3A_511 = arith.constant dense<0.000000e+00> : vector<1024x1024xf32>
    %dot_general3A_512 = tpu.matmul %get3A_505, %get3A_510, %dot_general3A_511 {dimension_numbers = #tpu.dot_dimension_numbers<[1], [1], [0], [0], [0, 0, 1, 0], [], []>, transpose_lhs_hint = false} : vector<1024x256xf32>, vector<1024x256xf32>, vector<1024x1024xf32> -> vector<1024x1024xf32>
    %mul3A_513 = arith.constant 1024 : i32
    %mul3A_514 = arith.muli %add3A_468, %mul3A_513 : i32
    %get3A_515 = arith.index_cast %mul3A_514 : i32 to index
    %get3A_516 = arith.constant 0 : index
    %get3A_517 = vector.load %arg2[%get3A_515, %get3A_516] : memref<8192x1xf32, #tpu.memory_space<vmem>>, vector<1024x1xf32>
    %mul3A_518 = arith.constant 1024 : i32
    %mul3A_519 = arith.muli %add3A_500, %mul3A_518 : i32
    %get3A_520 = arith.constant 0 : index
    %get3A_521 = arith.index_cast %mul3A_519 : i32 to index
    %get3A_522 = vector.load %arg3[%get3A_520, %get3A_521] : memref<1x8192xf32, #tpu.memory_space<vmem>>, vector<1x1024xf32>
    %mul3A_523 = vector.broadcast %get3A_517 : vector<1024x1xf32> to vector<1024x1024xf32>
    %mul3A_524 = vector.broadcast %get3A_522 : vector<1x1024xf32> to vector<1024x1024xf32>
    %mul3A_525 = arith.mulf %mul3A_523, %mul3A_524 : vector<1024x1024xf32>
    %div3A_526 = arith.divf %dot_general3A_512, %mul3A_525 : vector<1024x1024xf32>
    %iota3A_527 = tpu.iota {dimensions = array<i32: 0>} : vector<1024x1024xi32>
    %iota3A_528 = tpu.iota {dimensions = array<i32: 1>} : vector<1024x1024xi32>
    %eq3A_529 = arith.cmpi eq, %iota3A_527, %iota3A_528 : vector<1024x1024xi32>
    %eq3A_530 = arith.cmpi eq, %add3A_468, %add3A_500 : i32
    %and3A_531 = vector.broadcast %eq3A_530 : i1 to vector<1024x1024xi1>
    %and3A_532 = arith.andi %eq3A_529, %and3A_531 : vector<1024x1024xi1>
    %jit3A_533 = arith.constant 0xFF800000 : f32
    %broadcast_in_dim3A_534 = vector.broadcast %jit3A_533 : f32 to vector<1024x1024xf32>
    %select_n3A_535 = arith.select %and3A_532, %broadcast_in_dim3A_534, %div3A_526 : vector<1024x1024xi1>, vector<1024x1024xf32>
    %reduce_max3A_536 = arith.constant dense<0xFF800000> : vector<1024xf32>
    %reduce_max3A_537 = vector.multi_reduction <maximumf>, %select_n3A_535, %reduce_max3A_536 [1] : vector<1024x1024xf32> to vector<1024xf32>
    %broadcast_in_dim3A_538 = vector.shape_cast %reduce_max3A_537 : vector<1024xf32> to vector<1024x1xf32>
    %reduce_max3A_539 = arith.constant dense<0xFF800000> : vector<1024xf32>
    %reduce_max3A_540 = vector.multi_reduction <maximumf>, %select_n3A_535, %reduce_max3A_539 [0] : vector<1024x1024xf32> to vector<1024xf32>
    %broadcast_in_dim3A_541 = vector.shape_cast %reduce_max3A_540 : vector<1024xf32> to vector<1x1024xf32>
    %mul3A_542 = arith.constant 1024 : i32
    %mul3A_543 = arith.muli %add3A_468, %mul3A_542 : i32
    %get3A_544 = arith.index_cast %mul3A_543 : i32 to index
    %get3A_545 = arith.constant 0 : index
    %get3A_546 = vector.load %arg4[%get3A_544, %get3A_545] : memref<8192x1xf32, #tpu.memory_space<vmem>>, vector<1024x1xf32>
    %eq3A_547 = arith.cmpi eq, %add3A_500, %add3A_468 : i32
    %max3A_548 = arith.maximumf %get3A_546, %broadcast_in_dim3A_538 : vector<1024x1xf32>
    %select_n3A_549 = arith.select %eq3A_547, %broadcast_in_dim3A_538, %max3A_548 : vector<1024x1xf32>
    %mul3A_550 = arith.constant 1024 : i32
    %mul3A_551 = arith.muli %add3A_468, %mul3A_550 : i32
    %swap3A_552 = arith.index_cast %mul3A_551 : i32 to index
    %swap3A_553 = arith.constant 0 : index
    %swap3A_554 = vector.load %arg4[%swap3A_552, %swap3A_553] : memref<8192x1xf32, #tpu.memory_space<vmem>>, vector<1024x1xf32>
    tpu.vector_store %arg4[%swap3A_552, %swap3A_553], %select_n3A_549 {strides = array<i32>} : memref<8192x1xf32, #tpu.memory_space<vmem>>, vector<1024x1xf32>,
    %mul3A_555 = arith.constant 1024 : i32
    %mul3A_556 = arith.muli %add3A_500, %mul3A_555 : i32
    %get3A_557 = arith.constant 0 : index
    %get3A_558 = arith.index_cast %mul3A_556 : i32 to index
    %get3A_559 = vector.load %arg5[%get3A_557, %get3A_558] : memref<1x8192xf32, #tpu.memory_space<vmem>>, vector<1x1024xf32>
    %eq3A_560 = arith.constant 0 : i32
    %eq3A_561 = arith.cmpi eq, %add3A_468, %eq3A_560 : i32
    %max3A_562 = arith.maximumf %get3A_559, %broadcast_in_dim3A_541 : vector<1x1024xf32>
    %select_n3A_563 = arith.select %eq3A_561, %broadcast_in_dim3A_541, %max3A_562 : vector<1x1024xf32>
    %mul3A_564 = arith.constant 1024 : i32
    %mul3A_565 = arith.muli %add3A_500, %mul3A_564 : i32
    %swap3A_566 = arith.constant 0 : index
    %swap3A_567 = arith.index_cast %mul3A_565 : i32 to index
    %swap3A_568 = vector.load %arg5[%swap3A_566, %swap3A_567] : memref<1x8192xf32, #tpu.memory_space<vmem>>, vector<1x1024xf32>
    tpu.vector_store %arg5[%swap3A_566, %swap3A_567], %select_n3A_563 {strides = array<i32>} : memref<1x8192xf32, #tpu.memory_space<vmem>>, vector<1x1024xf32>,
    return
  }
  func.func @transform_0(%arg0: i32) -> (i32, i32) {
    %c0_i32 = arith.constant 0 : i32
    %c0_i32_0 = arith.constant 0 : i32
    %c0_i32_1 = arith.constant 0 : i32
    return %c0_i32, %c0_i32_0 : i32, i32
  }
  func.func @transform_1(%arg0: i32) -> (i32, i32) {
    %c0_i32 = arith.constant 0 : i32
    %c0_i32_0 = arith.constant 0 : i32
    %c0_i32_1 = arith.constant 0 : i32
    return %c0_i32, %c0_i32_0 : i32, i32
  }
  func.func @transform_2(%arg0: i32) -> (i32, i32) {
    %c0_i32 = arith.constant 0 : i32
    %c0_i32_0 = arith.constant 0 : i32
    %c0_i32_1 = arith.constant 0 : i32
    return %c0_i32, %c0_i32_0 : i32, i32
  }
  func.func @transform_3(%arg0: i32) -> (i32, i32) {
    %c0_i32 = arith.constant 0 : i32
    %c0_i32_0 = arith.constant 0 : i32
    %c0_i32_1 = arith.constant 0 : i32
    return %c0_i32, %c0_i32_0 : i32, i32
  }
  func.func @transform_4(%arg0: i32) -> (i32, i32) {
    %c0_i32 = arith.constant 0 : i32
    %c0_i32_0 = arith.constant 0 : i32
    %c0_i32_1 = arith.constant 0 : i32
    return %c0_i32, %c0_i32_0 : i32, i32
  }
}

module attributes {stable_mosaic.version = 14 : i64} {
  func.func @_bisect_body(%arg0: memref<8192x1xf32, #tpu.memory_space<vmem>>, %arg1: memref<1x8192xf32, #tpu.memory_space<vmem>>, %arg2: memref<1x8192xf32, #tpu.memory_space<vmem>>, %arg3: memref<1x16xf32, #tpu.memory_space<smem>>) attributes {dimension_semantics = [], scalar_prefetch = 0 : i64, scratch_operands = 0 : i64, tpu.core_type = #tpu.core_type<tc>} {
    %get3A = arith.constant 0 : index
    %get3A_0 = arith.constant 0 : index
    %get3A_1 = vector.load %arg0[%get3A, %get3A_0] : memref<8192x1xf32, #tpu.memory_space<vmem>>, vector<8192x1xf32>
    %transpose3A = tpu.transpose %get3A_1, [1, 0] : vector<8192x1xf32> -> vector<1x8192xf32>
    %get3A_2 = arith.constant 0 : index
    %get3A_3 = arith.constant 0 : index
    %get3A_4 = vector.load %arg1[%get3A_2, %get3A_3] : memref<1x8192xf32, #tpu.memory_space<vmem>>, vector<1x8192xf32>
    %max3A = arith.maximumf %transpose3A, %get3A_4 : vector<1x8192xf32>
    %swap3A = arith.constant 0 : index
    %swap3A_5 = arith.constant 0 : index
    %swap3A_6 = vector.load %arg2[%swap3A, %swap3A_5] : memref<1x8192xf32, #tpu.memory_space<vmem>>, vector<1x8192xf32>
    tpu.vector_store %arg2[%swap3A, %swap3A_5], %max3A {strides = array<i32>} : memref<1x8192xf32, #tpu.memory_space<vmem>>, vector<1x8192xf32>,
    %scan3A = arith.constant -2.000000e+00 : f32
    %scan3A_7 = arith.constant 2.000000e+00 : f32
    %scan3A_8 = arith.constant 0 : i32
    %scan3A_9 = arith.constant 45 : i32
    %scan3A_10 = arith.addi %scan3A_8, %scan3A_9 : i32
    %scan3A_11 = arith.constant 1 : i32
    %scan3A_12:2 = scf.for %scan3A_61 = %scan3A_8 to %scan3A_10 step %scan3A_11 iter_args(%scan3A_62 = %scan3A, %scan3A_63 = %scan3A_7) -> (f32, f32)  : i32 {
      %add3A = arith.addf %scan3A_62, %scan3A_63 : f32
      %mul3A = arith.constant 5.000000e-01 : f32
      %mul3A_64 = arith.mulf %add3A, %mul3A : f32
      %gt3A = vector.broadcast %mul3A_64 : f32 to vector<1x8192xf32>
      %gt3A_65 = arith.cmpf ogt, %max3A, %gt3A : vector<1x8192xf32>
      %convert_element_type3A = arith.extui %gt3A_65 : vector<1x8192xi1> to vector<1x8192xi32>
      %reduce_sum3A = vector.shape_cast %convert_element_type3A : vector<1x8192xi32> to vector<1x1x8192xi32>
      %reduce_sum3A_66 = arith.constant dense<0> : vector<1xi32>
      %reduce_sum3A_67 = vector.multi_reduction <add>, %reduce_sum3A, %reduce_sum3A_66 [1, 2] : vector<1x1x8192xi32> to vector<1xi32>
      %reduce_sum3A_68 = vector.shape_cast %reduce_sum3A_67 : vector<1xi32> to vector<1x1x1xi32>
      %reduce_sum3A_69 = vector.extract %reduce_sum3A_68[0, 0, 0] : i32 from vector<1x1x1xi32>
      %lt3A = arith.constant 1024 : i32
      %lt3A_70 = arith.cmpi slt, %reduce_sum3A_69, %lt3A : i32
      %select_n3A = arith.select %lt3A_70, %scan3A_62, %mul3A_64 : f32
      %select_n3A_71 = arith.select %lt3A_70, %mul3A_64, %scan3A_63 : f32
      scf.yield %select_n3A, %select_n3A_71 : f32, f32
    }
    %swap3A_13 = arith.constant 0 : index
    %swap3A_14 = arith.constant 0 : index
    %swap3A_15 = memref.load %arg3[%swap3A_13, %swap3A_14] : memref<1x16xf32, #tpu.memory_space<smem>>
    memref.store %scan3A_12#1, %arg3[%swap3A_13, %swap3A_14] : memref<1x16xf32, #tpu.memory_space<smem>>
    %swap3A_16 = arith.constant 0 : index
    %swap3A_17 = arith.constant 1 : index
    %swap3A_18 = memref.load %arg3[%swap3A_16, %swap3A_17] : memref<1x16xf32, #tpu.memory_space<smem>>
    memref.store %scan3A_12#1, %arg3[%swap3A_16, %swap3A_17] : memref<1x16xf32, #tpu.memory_space<smem>>
    %swap3A_19 = arith.constant 0 : index
    %swap3A_20 = arith.constant 2 : index
    %swap3A_21 = memref.load %arg3[%swap3A_19, %swap3A_20] : memref<1x16xf32, #tpu.memory_space<smem>>
    memref.store %scan3A_12#1, %arg3[%swap3A_19, %swap3A_20] : memref<1x16xf32, #tpu.memory_space<smem>>
    %swap3A_22 = arith.constant 0 : index
    %swap3A_23 = arith.constant 3 : index
    %swap3A_24 = memref.load %arg3[%swap3A_22, %swap3A_23] : memref<1x16xf32, #tpu.memory_space<smem>>
    memref.store %scan3A_12#1, %arg3[%swap3A_22, %swap3A_23] : memref<1x16xf32, #tpu.memory_space<smem>>
    %swap3A_25 = arith.constant 0 : index
    %swap3A_26 = arith.constant 4 : index
    %swap3A_27 = memref.load %arg3[%swap3A_25, %swap3A_26] : memref<1x16xf32, #tpu.memory_space<smem>>
    memref.store %scan3A_12#1, %arg3[%swap3A_25, %swap3A_26] : memref<1x16xf32, #tpu.memory_space<smem>>
    %swap3A_28 = arith.constant 0 : index
    %swap3A_29 = arith.constant 5 : index
    %swap3A_30 = memref.load %arg3[%swap3A_28, %swap3A_29] : memref<1x16xf32, #tpu.memory_space<smem>>
    memref.store %scan3A_12#1, %arg3[%swap3A_28, %swap3A_29] : memref<1x16xf32, #tpu.memory_space<smem>>
    %swap3A_31 = arith.constant 0 : index
    %swap3A_32 = arith.constant 6 : index
    %swap3A_33 = memref.load %arg3[%swap3A_31, %swap3A_32] : memref<1x16xf32, #tpu.memory_space<smem>>
    memref.store %scan3A_12#1, %arg3[%swap3A_31, %swap3A_32] : memref<1x16xf32, #tpu.memory_space<smem>>
    %swap3A_34 = arith.constant 0 : index
    %swap3A_35 = arith.constant 7 : index
    %swap3A_36 = memref.load %arg3[%swap3A_34, %swap3A_35] : memref<1x16xf32, #tpu.memory_space<smem>>
    memref.store %scan3A_12#1, %arg3[%swap3A_34, %swap3A_35] : memref<1x16xf32, #tpu.memory_space<smem>>
    %swap3A_37 = arith.constant 0 : index
    %swap3A_38 = arith.constant 8 : index
    %swap3A_39 = memref.load %arg3[%swap3A_37, %swap3A_38] : memref<1x16xf32, #tpu.memory_space<smem>>
    memref.store %scan3A_12#1, %arg3[%swap3A_37, %swap3A_38] : memref<1x16xf32, #tpu.memory_space<smem>>
    %swap3A_40 = arith.constant 0 : index
    %swap3A_41 = arith.constant 9 : index
    %swap3A_42 = memref.load %arg3[%swap3A_40, %swap3A_41] : memref<1x16xf32, #tpu.memory_space<smem>>
    memref.store %scan3A_12#1, %arg3[%swap3A_40, %swap3A_41] : memref<1x16xf32, #tpu.memory_space<smem>>
    %swap3A_43 = arith.constant 0 : index
    %swap3A_44 = arith.constant 10 : index
    %swap3A_45 = memref.load %arg3[%swap3A_43, %swap3A_44] : memref<1x16xf32, #tpu.memory_space<smem>>
    memref.store %scan3A_12#1, %arg3[%swap3A_43, %swap3A_44] : memref<1x16xf32, #tpu.memory_space<smem>>
    %swap3A_46 = arith.constant 0 : index
    %swap3A_47 = arith.constant 11 : index
    %swap3A_48 = memref.load %arg3[%swap3A_46, %swap3A_47] : memref<1x16xf32, #tpu.memory_space<smem>>
    memref.store %scan3A_12#1, %arg3[%swap3A_46, %swap3A_47] : memref<1x16xf32, #tpu.memory_space<smem>>
    %swap3A_49 = arith.constant 0 : index
    %swap3A_50 = arith.constant 12 : index
    %swap3A_51 = memref.load %arg3[%swap3A_49, %swap3A_50] : memref<1x16xf32, #tpu.memory_space<smem>>
    memref.store %scan3A_12#1, %arg3[%swap3A_49, %swap3A_50] : memref<1x16xf32, #tpu.memory_space<smem>>
    %swap3A_52 = arith.constant 0 : index
    %swap3A_53 = arith.constant 13 : index
    %swap3A_54 = memref.load %arg3[%swap3A_52, %swap3A_53] : memref<1x16xf32, #tpu.memory_space<smem>>
    memref.store %scan3A_12#1, %arg3[%swap3A_52, %swap3A_53] : memref<1x16xf32, #tpu.memory_space<smem>>
    %swap3A_55 = arith.constant 0 : index
    %swap3A_56 = arith.constant 14 : index
    %swap3A_57 = memref.load %arg3[%swap3A_55, %swap3A_56] : memref<1x16xf32, #tpu.memory_space<smem>>
    memref.store %scan3A_12#1, %arg3[%swap3A_55, %swap3A_56] : memref<1x16xf32, #tpu.memory_space<smem>>
    %swap3A_58 = arith.constant 0 : index
    %swap3A_59 = arith.constant 15 : index
    %swap3A_60 = memref.load %arg3[%swap3A_58, %swap3A_59] : memref<1x16xf32, #tpu.memory_space<smem>>
    memref.store %scan3A_12#1, %arg3[%swap3A_58, %swap3A_59] : memref<1x16xf32, #tpu.memory_space<smem>>
    return
  }
}

module attributes {stable_mosaic.version = 14 : i64} {
  func.func @_rank_place_body(%arg0: memref<1x1792xf32, #tpu.memory_space<vmem>>, %arg1: memref<1x1792xi32, #tpu.memory_space<vmem>>, %arg2: memref<1x1024xf32, #tpu.memory_space<vmem>>, %arg3: memref<1x1024xi32, #tpu.memory_space<vmem>>, %arg4: memref<1x1792xi32, #tpu.memory_space<vmem>>) attributes {dimension_semantics = [], scalar_prefetch = 0 : i64, scratch_operands = 1 : i64, tpu.core_type = #tpu.core_type<tc>} {
    %get3A = arith.constant 0 : index
    %get3A_0 = arith.constant 0 : index
    %get3A_1 = vector.load %arg0[%get3A, %get3A_0] : memref<1x1792xf32, #tpu.memory_space<vmem>>, vector<1x1792xf32>
    %get3A_2 = arith.constant 0 : index
    %get3A_3 = arith.constant 0 : index
    %get3A_4 = vector.load %arg1[%get3A_2, %get3A_3] : memref<1x1792xi32, #tpu.memory_space<vmem>>, vector<1x1792xi32>
    %slice3A = vector.extract_strided_slice %get3A_1 {offsets = [0, 0], sizes = [1, 128], strides = [1, 1]} : vector<1x1792xf32> to vector<1x128xf32>
    %transpose3A = tpu.transpose %slice3A, [1, 0] : vector<1x128xf32> -> vector<128x1xf32>
    %slice3A_5 = vector.extract_strided_slice %get3A_4 {offsets = [0, 0], sizes = [1, 128], strides = [1, 1]} : vector<1x1792xi32> to vector<1x128xi32>
    %transpose3A_6 = tpu.transpose %slice3A_5, [1, 0] : vector<1x128xi32> -> vector<128x1xi32>
    %gt3A = vector.broadcast %get3A_1 : vector<1x1792xf32> to vector<128x1792xf32>
    %gt3A_7 = vector.broadcast %transpose3A : vector<128x1xf32> to vector<128x1792xf32>
    %gt3A_8 = arith.cmpf ogt, %gt3A, %gt3A_7 : vector<128x1792xf32>
    %eq3A = vector.broadcast %get3A_1 : vector<1x1792xf32> to vector<128x1792xf32>
    %eq3A_9 = vector.broadcast %transpose3A : vector<128x1xf32> to vector<128x1792xf32>
    %eq3A_10 = arith.cmpf oeq, %eq3A, %eq3A_9 : vector<128x1792xf32>
    %lt3A = vector.broadcast %get3A_4 : vector<1x1792xi32> to vector<128x1792xi32>
    %lt3A_11 = vector.broadcast %transpose3A_6 : vector<128x1xi32> to vector<128x1792xi32>
    %lt3A_12 = arith.cmpi slt, %lt3A, %lt3A_11 : vector<128x1792xi32>
    %and3A = arith.andi %eq3A_10, %lt3A_12 : vector<128x1792xi1>
    %or3A = arith.ori %gt3A_8, %and3A : vector<128x1792xi1>
    %convert_element_type3A = arith.extui %or3A : vector<128x1792xi1> to vector<128x1792xi32>
    %reduce_sum3A = arith.constant dense<0> : vector<128xi32>
    %reduce_sum3A_13 = vector.multi_reduction <add>, %convert_element_type3A, %reduce_sum3A [1] : vector<128x1792xi32> to vector<128xi32>
    %broadcast_in_dim3A = vector.shape_cast %reduce_sum3A_13 : vector<128xi32> to vector<128x1xi32>
    %transpose3A_14 = tpu.transpose %broadcast_in_dim3A, [1, 0] : vector<128x1xi32> -> vector<1x128xi32>
    %swap3A = arith.constant 0 : index
    %swap3A_15 = arith.constant 0 : index
    %swap3A_16 = vector.load %arg4[%swap3A, %swap3A_15] : memref<1x1792xi32, #tpu.memory_space<vmem>>, vector<1x128xi32>
    tpu.vector_store %arg4[%swap3A, %swap3A_15], %transpose3A_14 {strides = array<i32>} : memref<1x1792xi32, #tpu.memory_space<vmem>>, vector<1x128xi32>,
    %slice3A_17 = vector.extract_strided_slice %get3A_1 {offsets = [0, 128], sizes = [1, 128], strides = [1, 1]} : vector<1x1792xf32> to vector<1x128xf32>
    %transpose3A_18 = tpu.transpose %slice3A_17, [1, 0] : vector<1x128xf32> -> vector<128x1xf32>
    %slice3A_19 = vector.extract_strided_slice %get3A_4 {offsets = [0, 128], sizes = [1, 128], strides = [1, 1]} : vector<1x1792xi32> to vector<1x128xi32>
    %transpose3A_20 = tpu.transpose %slice3A_19, [1, 0] : vector<1x128xi32> -> vector<128x1xi32>
    %gt3A_21 = vector.broadcast %get3A_1 : vector<1x1792xf32> to vector<128x1792xf32>
    %gt3A_22 = vector.broadcast %transpose3A_18 : vector<128x1xf32> to vector<128x1792xf32>
    %gt3A_23 = arith.cmpf ogt, %gt3A_21, %gt3A_22 : vector<128x1792xf32>
    %eq3A_24 = vector.broadcast %get3A_1 : vector<1x1792xf32> to vector<128x1792xf32>
    %eq3A_25 = vector.broadcast %transpose3A_18 : vector<128x1xf32> to vector<128x1792xf32>
    %eq3A_26 = arith.cmpf oeq, %eq3A_24, %eq3A_25 : vector<128x1792xf32>
    %lt3A_27 = vector.broadcast %get3A_4 : vector<1x1792xi32> to vector<128x1792xi32>
    %lt3A_28 = vector.broadcast %transpose3A_20 : vector<128x1xi32> to vector<128x1792xi32>
    %lt3A_29 = arith.cmpi slt, %lt3A_27, %lt3A_28 : vector<128x1792xi32>
    %and3A_30 = arith.andi %eq3A_26, %lt3A_29 : vector<128x1792xi1>
    %or3A_31 = arith.ori %gt3A_23, %and3A_30 : vector<128x1792xi1>
    %convert_element_type3A_32 = arith.extui %or3A_31 : vector<128x1792xi1> to vector<128x1792xi32>
    %reduce_sum3A_33 = arith.constant dense<0> : vector<128xi32>
    %reduce_sum3A_34 = vector.multi_reduction <add>, %convert_element_type3A_32, %reduce_sum3A_33 [1] : vector<128x1792xi32> to vector<128xi32>
    %broadcast_in_dim3A_35 = vector.shape_cast %reduce_sum3A_34 : vector<128xi32> to vector<128x1xi32>
    %transpose3A_36 = tpu.transpose %broadcast_in_dim3A_35, [1, 0] : vector<128x1xi32> -> vector<1x128xi32>
    %swap3A_37 = arith.constant 0 : index
    %swap3A_38 = arith.constant 128 : index
    %swap3A_39 = vector.load %arg4[%swap3A_37, %swap3A_38] : memref<1x1792xi32, #tpu.memory_space<vmem>>, vector<1x128xi32>
    tpu.vector_store %arg4[%swap3A_37, %swap3A_38], %transpose3A_36 {strides = array<i32>} : memref<1x1792xi32, #tpu.memory_space<vmem>>, vector<1x128xi32>,
    %slice3A_40 = vector.extract_strided_slice %get3A_1 {offsets = [0, 256], sizes = [1, 128], strides = [1, 1]} : vector<1x1792xf32> to vector<1x128xf32>
    %transpose3A_41 = tpu.transpose %slice3A_40, [1, 0] : vector<1x128xf32> -> vector<128x1xf32>
    %slice3A_42 = vector.extract_strided_slice %get3A_4 {offsets = [0, 256], sizes = [1, 128], strides = [1, 1]} : vector<1x1792xi32> to vector<1x128xi32>
    %transpose3A_43 = tpu.transpose %slice3A_42, [1, 0] : vector<1x128xi32> -> vector<128x1xi32>
    %gt3A_44 = vector.broadcast %get3A_1 : vector<1x1792xf32> to vector<128x1792xf32>
    %gt3A_45 = vector.broadcast %transpose3A_41 : vector<128x1xf32> to vector<128x1792xf32>
    %gt3A_46 = arith.cmpf ogt, %gt3A_44, %gt3A_45 : vector<128x1792xf32>
    %eq3A_47 = vector.broadcast %get3A_1 : vector<1x1792xf32> to vector<128x1792xf32>
    %eq3A_48 = vector.broadcast %transpose3A_41 : vector<128x1xf32> to vector<128x1792xf32>
    %eq3A_49 = arith.cmpf oeq, %eq3A_47, %eq3A_48 : vector<128x1792xf32>
    %lt3A_50 = vector.broadcast %get3A_4 : vector<1x1792xi32> to vector<128x1792xi32>
    %lt3A_51 = vector.broadcast %transpose3A_43 : vector<128x1xi32> to vector<128x1792xi32>
    %lt3A_52 = arith.cmpi slt, %lt3A_50, %lt3A_51 : vector<128x1792xi32>
    %and3A_53 = arith.andi %eq3A_49, %lt3A_52 : vector<128x1792xi1>
    %or3A_54 = arith.ori %gt3A_46, %and3A_53 : vector<128x1792xi1>
    %convert_element_type3A_55 = arith.extui %or3A_54 : vector<128x1792xi1> to vector<128x1792xi32>
    %reduce_sum3A_56 = arith.constant dense<0> : vector<128xi32>
    %reduce_sum3A_57 = vector.multi_reduction <add>, %convert_element_type3A_55, %reduce_sum3A_56 [1] : vector<128x1792xi32> to vector<128xi32>
    %broadcast_in_dim3A_58 = vector.shape_cast %reduce_sum3A_57 : vector<128xi32> to vector<128x1xi32>
    %transpose3A_59 = tpu.transpose %broadcast_in_dim3A_58, [1, 0] : vector<128x1xi32> -> vector<1x128xi32>
    %swap3A_60 = arith.constant 0 : index
    %swap3A_61 = arith.constant 256 : index
    %swap3A_62 = vector.load %arg4[%swap3A_60, %swap3A_61] : memref<1x1792xi32, #tpu.memory_space<vmem>>, vector<1x128xi32>
    tpu.vector_store %arg4[%swap3A_60, %swap3A_61], %transpose3A_59 {strides = array<i32>} : memref<1x1792xi32, #tpu.memory_space<vmem>>, vector<1x128xi32>,
    %slice3A_63 = vector.extract_strided_slice %get3A_1 {offsets = [0, 384], sizes = [1, 128], strides = [1, 1]} : vector<1x1792xf32> to vector<1x128xf32>
    %transpose3A_64 = tpu.transpose %slice3A_63, [1, 0] : vector<1x128xf32> -> vector<128x1xf32>
    %slice3A_65 = vector.extract_strided_slice %get3A_4 {offsets = [0, 384], sizes = [1, 128], strides = [1, 1]} : vector<1x1792xi32> to vector<1x128xi32>
    %transpose3A_66 = tpu.transpose %slice3A_65, [1, 0] : vector<1x128xi32> -> vector<128x1xi32>
    %gt3A_67 = vector.broadcast %get3A_1 : vector<1x1792xf32> to vector<128x1792xf32>
    %gt3A_68 = vector.broadcast %transpose3A_64 : vector<128x1xf32> to vector<128x1792xf32>
    %gt3A_69 = arith.cmpf ogt, %gt3A_67, %gt3A_68 : vector<128x1792xf32>
    %eq3A_70 = vector.broadcast %get3A_1 : vector<1x1792xf32> to vector<128x1792xf32>
    %eq3A_71 = vector.broadcast %transpose3A_64 : vector<128x1xf32> to vector<128x1792xf32>
    %eq3A_72 = arith.cmpf oeq, %eq3A_70, %eq3A_71 : vector<128x1792xf32>
    %lt3A_73 = vector.broadcast %get3A_4 : vector<1x1792xi32> to vector<128x1792xi32>
    %lt3A_74 = vector.broadcast %transpose3A_66 : vector<128x1xi32> to vector<128x1792xi32>
    %lt3A_75 = arith.cmpi slt, %lt3A_73, %lt3A_74 : vector<128x1792xi32>
    %and3A_76 = arith.andi %eq3A_72, %lt3A_75 : vector<128x1792xi1>
    %or3A_77 = arith.ori %gt3A_69, %and3A_76 : vector<128x1792xi1>
    %convert_element_type3A_78 = arith.extui %or3A_77 : vector<128x1792xi1> to vector<128x1792xi32>
    %reduce_sum3A_79 = arith.constant dense<0> : vector<128xi32>
    %reduce_sum3A_80 = vector.multi_reduction <add>, %convert_element_type3A_78, %reduce_sum3A_79 [1] : vector<128x1792xi32> to vector<128xi32>
    %broadcast_in_dim3A_81 = vector.shape_cast %reduce_sum3A_80 : vector<128xi32> to vector<128x1xi32>
    %transpose3A_82 = tpu.transpose %broadcast_in_dim3A_81, [1, 0] : vector<128x1xi32> -> vector<1x128xi32>
    %swap3A_83 = arith.constant 0 : index
    %swap3A_84 = arith.constant 384 : index
    %swap3A_85 = vector.load %arg4[%swap3A_83, %swap3A_84] : memref<1x1792xi32, #tpu.memory_space<vmem>>, vector<1x128xi32>
    tpu.vector_store %arg4[%swap3A_83, %swap3A_84], %transpose3A_82 {strides = array<i32>} : memref<1x1792xi32, #tpu.memory_space<vmem>>, vector<1x128xi32>,
    %slice3A_86 = vector.extract_strided_slice %get3A_1 {offsets = [0, 512], sizes = [1, 128], strides = [1, 1]} : vector<1x1792xf32> to vector<1x128xf32>
    %transpose3A_87 = tpu.transpose %slice3A_86, [1, 0] : vector<1x128xf32> -> vector<128x1xf32>
    %slice3A_88 = vector.extract_strided_slice %get3A_4 {offsets = [0, 512], sizes = [1, 128], strides = [1, 1]} : vector<1x1792xi32> to vector<1x128xi32>
    %transpose3A_89 = tpu.transpose %slice3A_88, [1, 0] : vector<1x128xi32> -> vector<128x1xi32>
    %gt3A_90 = vector.broadcast %get3A_1 : vector<1x1792xf32> to vector<128x1792xf32>
    %gt3A_91 = vector.broadcast %transpose3A_87 : vector<128x1xf32> to vector<128x1792xf32>
    %gt3A_92 = arith.cmpf ogt, %gt3A_90, %gt3A_91 : vector<128x1792xf32>
    %eq3A_93 = vector.broadcast %get3A_1 : vector<1x1792xf32> to vector<128x1792xf32>
    %eq3A_94 = vector.broadcast %transpose3A_87 : vector<128x1xf32> to vector<128x1792xf32>
    %eq3A_95 = arith.cmpf oeq, %eq3A_93, %eq3A_94 : vector<128x1792xf32>
    %lt3A_96 = vector.broadcast %get3A_4 : vector<1x1792xi32> to vector<128x1792xi32>
    %lt3A_97 = vector.broadcast %transpose3A_89 : vector<128x1xi32> to vector<128x1792xi32>
    %lt3A_98 = arith.cmpi slt, %lt3A_96, %lt3A_97 : vector<128x1792xi32>
    %and3A_99 = arith.andi %eq3A_95, %lt3A_98 : vector<128x1792xi1>
    %or3A_100 = arith.ori %gt3A_92, %and3A_99 : vector<128x1792xi1>
    %convert_element_type3A_101 = arith.extui %or3A_100 : vector<128x1792xi1> to vector<128x1792xi32>
    %reduce_sum3A_102 = arith.constant dense<0> : vector<128xi32>
    %reduce_sum3A_103 = vector.multi_reduction <add>, %convert_element_type3A_101, %reduce_sum3A_102 [1] : vector<128x1792xi32> to vector<128xi32>
    %broadcast_in_dim3A_104 = vector.shape_cast %reduce_sum3A_103 : vector<128xi32> to vector<128x1xi32>
    %transpose3A_105 = tpu.transpose %broadcast_in_dim3A_104, [1, 0] : vector<128x1xi32> -> vector<1x128xi32>
    %swap3A_106 = arith.constant 0 : index
    %swap3A_107 = arith.constant 512 : index
    %swap3A_108 = vector.load %arg4[%swap3A_106, %swap3A_107] : memref<1x1792xi32, #tpu.memory_space<vmem>>, vector<1x128xi32>
    tpu.vector_store %arg4[%swap3A_106, %swap3A_107], %transpose3A_105 {strides = array<i32>} : memref<1x1792xi32, #tpu.memory_space<vmem>>, vector<1x128xi32>,
    %slice3A_109 = vector.extract_strided_slice %get3A_1 {offsets = [0, 640], sizes = [1, 128], strides = [1, 1]} : vector<1x1792xf32> to vector<1x128xf32>
    %transpose3A_110 = tpu.transpose %slice3A_109, [1, 0] : vector<1x128xf32> -> vector<128x1xf32>
    %slice3A_111 = vector.extract_strided_slice %get3A_4 {offsets = [0, 640], sizes = [1, 128], strides = [1, 1]} : vector<1x1792xi32> to vector<1x128xi32>
    %transpose3A_112 = tpu.transpose %slice3A_111, [1, 0] : vector<1x128xi32> -> vector<128x1xi32>
    %gt3A_113 = vector.broadcast %get3A_1 : vector<1x1792xf32> to vector<128x1792xf32>
    %gt3A_114 = vector.broadcast %transpose3A_110 : vector<128x1xf32> to vector<128x1792xf32>
    %gt3A_115 = arith.cmpf ogt, %gt3A_113, %gt3A_114 : vector<128x1792xf32>
    %eq3A_116 = vector.broadcast %get3A_1 : vector<1x1792xf32> to vector<128x1792xf32>
    %eq3A_117 = vector.broadcast %transpose3A_110 : vector<128x1xf32> to vector<128x1792xf32>
    %eq3A_118 = arith.cmpf oeq, %eq3A_116, %eq3A_117 : vector<128x1792xf32>
    %lt3A_119 = vector.broadcast %get3A_4 : vector<1x1792xi32> to vector<128x1792xi32>
    %lt3A_120 = vector.broadcast %transpose3A_112 : vector<128x1xi32> to vector<128x1792xi32>
    %lt3A_121 = arith.cmpi slt, %lt3A_119, %lt3A_120 : vector<128x1792xi32>
    %and3A_122 = arith.andi %eq3A_118, %lt3A_121 : vector<128x1792xi1>
    %or3A_123 = arith.ori %gt3A_115, %and3A_122 : vector<128x1792xi1>
    %convert_element_type3A_124 = arith.extui %or3A_123 : vector<128x1792xi1> to vector<128x1792xi32>
    %reduce_sum3A_125 = arith.constant dense<0> : vector<128xi32>
    %reduce_sum3A_126 = vector.multi_reduction <add>, %convert_element_type3A_124, %reduce_sum3A_125 [1] : vector<128x1792xi32> to vector<128xi32>
    %broadcast_in_dim3A_127 = vector.shape_cast %reduce_sum3A_126 : vector<128xi32> to vector<128x1xi32>
    %transpose3A_128 = tpu.transpose %broadcast_in_dim3A_127, [1, 0] : vector<128x1xi32> -> vector<1x128xi32>
    %swap3A_129 = arith.constant 0 : index
    %swap3A_130 = arith.constant 640 : index
    %swap3A_131 = vector.load %arg4[%swap3A_129, %swap3A_130] : memref<1x1792xi32, #tpu.memory_space<vmem>>, vector<1x128xi32>
    tpu.vector_store %arg4[%swap3A_129, %swap3A_130], %transpose3A_128 {strides = array<i32>} : memref<1x1792xi32, #tpu.memory_space<vmem>>, vector<1x128xi32>,
    %slice3A_132 = vector.extract_strided_slice %get3A_1 {offsets = [0, 768], sizes = [1, 128], strides = [1, 1]} : vector<1x1792xf32> to vector<1x128xf32>
    %transpose3A_133 = tpu.transpose %slice3A_132, [1, 0] : vector<1x128xf32> -> vector<128x1xf32>
    %slice3A_134 = vector.extract_strided_slice %get3A_4 {offsets = [0, 768], sizes = [1, 128], strides = [1, 1]} : vector<1x1792xi32> to vector<1x128xi32>
    %transpose3A_135 = tpu.transpose %slice3A_134, [1, 0] : vector<1x128xi32> -> vector<128x1xi32>
    %gt3A_136 = vector.broadcast %get3A_1 : vector<1x1792xf32> to vector<128x1792xf32>
    %gt3A_137 = vector.broadcast %transpose3A_133 : vector<128x1xf32> to vector<128x1792xf32>
    %gt3A_138 = arith.cmpf ogt, %gt3A_136, %gt3A_137 : vector<128x1792xf32>
    %eq3A_139 = vector.broadcast %get3A_1 : vector<1x1792xf32> to vector<128x1792xf32>
    %eq3A_140 = vector.broadcast %transpose3A_133 : vector<128x1xf32> to vector<128x1792xf32>
    %eq3A_141 = arith.cmpf oeq, %eq3A_139, %eq3A_140 : vector<128x1792xf32>
    %lt3A_142 = vector.broadcast %get3A_4 : vector<1x1792xi32> to vector<128x1792xi32>
    %lt3A_143 = vector.broadcast %transpose3A_135 : vector<128x1xi32> to vector<128x1792xi32>
    %lt3A_144 = arith.cmpi slt, %lt3A_142, %lt3A_143 : vector<128x1792xi32>
    %and3A_145 = arith.andi %eq3A_141, %lt3A_144 : vector<128x1792xi1>
    %or3A_146 = arith.ori %gt3A_138, %and3A_145 : vector<128x1792xi1>
    %convert_element_type3A_147 = arith.extui %or3A_146 : vector<128x1792xi1> to vector<128x1792xi32>
    %reduce_sum3A_148 = arith.constant dense<0> : vector<128xi32>
    %reduce_sum3A_149 = vector.multi_reduction <add>, %convert_element_type3A_147, %reduce_sum3A_148 [1] : vector<128x1792xi32> to vector<128xi32>
    %broadcast_in_dim3A_150 = vector.shape_cast %reduce_sum3A_149 : vector<128xi32> to vector<128x1xi32>
    %transpose3A_151 = tpu.transpose %broadcast_in_dim3A_150, [1, 0] : vector<128x1xi32> -> vector<1x128xi32>
    %swap3A_152 = arith.constant 0 : index
    %swap3A_153 = arith.constant 768 : index
    %swap3A_154 = vector.load %arg4[%swap3A_152, %swap3A_153] : memref<1x1792xi32, #tpu.memory_space<vmem>>, vector<1x128xi32>
    tpu.vector_store %arg4[%swap3A_152, %swap3A_153], %transpose3A_151 {strides = array<i32>} : memref<1x1792xi32, #tpu.memory_space<vmem>>, vector<1x128xi32>,
    %slice3A_155 = vector.extract_strided_slice %get3A_1 {offsets = [0, 896], sizes = [1, 128], strides = [1, 1]} : vector<1x1792xf32> to vector<1x128xf32>
    %transpose3A_156 = tpu.transpose %slice3A_155, [1, 0] : vector<1x128xf32> -> vector<128x1xf32>
    %slice3A_157 = vector.extract_strided_slice %get3A_4 {offsets = [0, 896], sizes = [1, 128], strides = [1, 1]} : vector<1x1792xi32> to vector<1x128xi32>
    %transpose3A_158 = tpu.transpose %slice3A_157, [1, 0] : vector<1x128xi32> -> vector<128x1xi32>
    %gt3A_159 = vector.broadcast %get3A_1 : vector<1x1792xf32> to vector<128x1792xf32>
    %gt3A_160 = vector.broadcast %transpose3A_156 : vector<128x1xf32> to vector<128x1792xf32>
    %gt3A_161 = arith.cmpf ogt, %gt3A_159, %gt3A_160 : vector<128x1792xf32>
    %eq3A_162 = vector.broadcast %get3A_1 : vector<1x1792xf32> to vector<128x1792xf32>
    %eq3A_163 = vector.broadcast %transpose3A_156 : vector<128x1xf32> to vector<128x1792xf32>
    %eq3A_164 = arith.cmpf oeq, %eq3A_162, %eq3A_163 : vector<128x1792xf32>
    %lt3A_165 = vector.broadcast %get3A_4 : vector<1x1792xi32> to vector<128x1792xi32>
    %lt3A_166 = vector.broadcast %transpose3A_158 : vector<128x1xi32> to vector<128x1792xi32>
    %lt3A_167 = arith.cmpi slt, %lt3A_165, %lt3A_166 : vector<128x1792xi32>
    %and3A_168 = arith.andi %eq3A_164, %lt3A_167 : vector<128x1792xi1>
    %or3A_169 = arith.ori %gt3A_161, %and3A_168 : vector<128x1792xi1>
    %convert_element_type3A_170 = arith.extui %or3A_169 : vector<128x1792xi1> to vector<128x1792xi32>
    %reduce_sum3A_171 = arith.constant dense<0> : vector<128xi32>
    %reduce_sum3A_172 = vector.multi_reduction <add>, %convert_element_type3A_170, %reduce_sum3A_171 [1] : vector<128x1792xi32> to vector<128xi32>
    %broadcast_in_dim3A_173 = vector.shape_cast %reduce_sum3A_172 : vector<128xi32> to vector<128x1xi32>
    %transpose3A_174 = tpu.transpose %broadcast_in_dim3A_173, [1, 0] : vector<128x1xi32> -> vector<1x128xi32>
    %swap3A_175 = arith.constant 0 : index
    %swap3A_176 = arith.constant 896 : index
    %swap3A_177 = vector.load %arg4[%swap3A_175, %swap3A_176] : memref<1x1792xi32, #tpu.memory_space<vmem>>, vector<1x128xi32>
    tpu.vector_store %arg4[%swap3A_175, %swap3A_176], %transpose3A_174 {strides = array<i32>} : memref<1x1792xi32, #tpu.memory_space<vmem>>, vector<1x128xi32>,
    %slice3A_178 = vector.extract_strided_slice %get3A_1 {offsets = [0, 1024], sizes = [1, 128], strides = [1, 1]} : vector<1x1792xf32> to vector<1x128xf32>
    %transpose3A_179 = tpu.transpose %slice3A_178, [1, 0] : vector<1x128xf32> -> vector<128x1xf32>
    %slice3A_180 = vector.extract_strided_slice %get3A_4 {offsets = [0, 1024], sizes = [1, 128], strides = [1, 1]} : vector<1x1792xi32> to vector<1x128xi32>
    %transpose3A_181 = tpu.transpose %slice3A_180, [1, 0] : vector<1x128xi32> -> vector<128x1xi32>
    %gt3A_182 = vector.broadcast %get3A_1 : vector<1x1792xf32> to vector<128x1792xf32>
    %gt3A_183 = vector.broadcast %transpose3A_179 : vector<128x1xf32> to vector<128x1792xf32>
    %gt3A_184 = arith.cmpf ogt, %gt3A_182, %gt3A_183 : vector<128x1792xf32>
    %eq3A_185 = vector.broadcast %get3A_1 : vector<1x1792xf32> to vector<128x1792xf32>
    %eq3A_186 = vector.broadcast %transpose3A_179 : vector<128x1xf32> to vector<128x1792xf32>
    %eq3A_187 = arith.cmpf oeq, %eq3A_185, %eq3A_186 : vector<128x1792xf32>
    %lt3A_188 = vector.broadcast %get3A_4 : vector<1x1792xi32> to vector<128x1792xi32>
    %lt3A_189 = vector.broadcast %transpose3A_181 : vector<128x1xi32> to vector<128x1792xi32>
    %lt3A_190 = arith.cmpi slt, %lt3A_188, %lt3A_189 : vector<128x1792xi32>
    %and3A_191 = arith.andi %eq3A_187, %lt3A_190 : vector<128x1792xi1>
    %or3A_192 = arith.ori %gt3A_184, %and3A_191 : vector<128x1792xi1>
    %convert_element_type3A_193 = arith.extui %or3A_192 : vector<128x1792xi1> to vector<128x1792xi32>
    %reduce_sum3A_194 = arith.constant dense<0> : vector<128xi32>
    %reduce_sum3A_195 = vector.multi_reduction <add>, %convert_element_type3A_193, %reduce_sum3A_194 [1] : vector<128x1792xi32> to vector<128xi32>
    %broadcast_in_dim3A_196 = vector.shape_cast %reduce_sum3A_195 : vector<128xi32> to vector<128x1xi32>
    %transpose3A_197 = tpu.transpose %broadcast_in_dim3A_196, [1, 0] : vector<128x1xi32> -> vector<1x128xi32>
    %swap3A_198 = arith.constant 0 : index
    %swap3A_199 = arith.constant 1024 : index
    %swap3A_200 = vector.load %arg4[%swap3A_198, %swap3A_199] : memref<1x1792xi32, #tpu.memory_space<vmem>>, vector<1x128xi32>
    tpu.vector_store %arg4[%swap3A_198, %swap3A_199], %transpose3A_197 {strides = array<i32>} : memref<1x1792xi32, #tpu.memory_space<vmem>>, vector<1x128xi32>,
    %slice3A_201 = vector.extract_strided_slice %get3A_1 {offsets = [0, 1152], sizes = [1, 128], strides = [1, 1]} : vector<1x1792xf32> to vector<1x128xf32>
    %transpose3A_202 = tpu.transpose %slice3A_201, [1, 0] : vector<1x128xf32> -> vector<128x1xf32>
    %slice3A_203 = vector.extract_strided_slice %get3A_4 {offsets = [0, 1152], sizes = [1, 128], strides = [1, 1]} : vector<1x1792xi32> to vector<1x128xi32>
    %transpose3A_204 = tpu.transpose %slice3A_203, [1, 0] : vector<1x128xi32> -> vector<128x1xi32>
    %gt3A_205 = vector.broadcast %get3A_1 : vector<1x1792xf32> to vector<128x1792xf32>
    %gt3A_206 = vector.broadcast %transpose3A_202 : vector<128x1xf32> to vector<128x1792xf32>
    %gt3A_207 = arith.cmpf ogt, %gt3A_205, %gt3A_206 : vector<128x1792xf32>
    %eq3A_208 = vector.broadcast %get3A_1 : vector<1x1792xf32> to vector<128x1792xf32>
    %eq3A_209 = vector.broadcast %transpose3A_202 : vector<128x1xf32> to vector<128x1792xf32>
    %eq3A_210 = arith.cmpf oeq, %eq3A_208, %eq3A_209 : vector<128x1792xf32>
    %lt3A_211 = vector.broadcast %get3A_4 : vector<1x1792xi32> to vector<128x1792xi32>
    %lt3A_212 = vector.broadcast %transpose3A_204 : vector<128x1xi32> to vector<128x1792xi32>
    %lt3A_213 = arith.cmpi slt, %lt3A_211, %lt3A_212 : vector<128x1792xi32>
    %and3A_214 = arith.andi %eq3A_210, %lt3A_213 : vector<128x1792xi1>
    %or3A_215 = arith.ori %gt3A_207, %and3A_214 : vector<128x1792xi1>
    %convert_element_type3A_216 = arith.extui %or3A_215 : vector<128x1792xi1> to vector<128x1792xi32>
    %reduce_sum3A_217 = arith.constant dense<0> : vector<128xi32>
    %reduce_sum3A_218 = vector.multi_reduction <add>, %convert_element_type3A_216, %reduce_sum3A_217 [1] : vector<128x1792xi32> to vector<128xi32>
    %broadcast_in_dim3A_219 = vector.shape_cast %reduce_sum3A_218 : vector<128xi32> to vector<128x1xi32>
    %transpose3A_220 = tpu.transpose %broadcast_in_dim3A_219, [1, 0] : vector<128x1xi32> -> vector<1x128xi32>
    %swap3A_221 = arith.constant 0 : index
    %swap3A_222 = arith.constant 1152 : index
    %swap3A_223 = vector.load %arg4[%swap3A_221, %swap3A_222] : memref<1x1792xi32, #tpu.memory_space<vmem>>, vector<1x128xi32>
    tpu.vector_store %arg4[%swap3A_221, %swap3A_222], %transpose3A_220 {strides = array<i32>} : memref<1x1792xi32, #tpu.memory_space<vmem>>, vector<1x128xi32>,
    %slice3A_224 = vector.extract_strided_slice %get3A_1 {offsets = [0, 1280], sizes = [1, 128], strides = [1, 1]} : vector<1x1792xf32> to vector<1x128xf32>
    %transpose3A_225 = tpu.transpose %slice3A_224, [1, 0] : vector<1x128xf32> -> vector<128x1xf32>
    %slice3A_226 = vector.extract_strided_slice %get3A_4 {offsets = [0, 1280], sizes = [1, 128], strides = [1, 1]} : vector<1x1792xi32> to vector<1x128xi32>
    %transpose3A_227 = tpu.transpose %slice3A_226, [1, 0] : vector<1x128xi32> -> vector<128x1xi32>
    %gt3A_228 = vector.broadcast %get3A_1 : vector<1x1792xf32> to vector<128x1792xf32>
    %gt3A_229 = vector.broadcast %transpose3A_225 : vector<128x1xf32> to vector<128x1792xf32>
    %gt3A_230 = arith.cmpf ogt, %gt3A_228, %gt3A_229 : vector<128x1792xf32>
    %eq3A_231 = vector.broadcast %get3A_1 : vector<1x1792xf32> to vector<128x1792xf32>
    %eq3A_232 = vector.broadcast %transpose3A_225 : vector<128x1xf32> to vector<128x1792xf32>
    %eq3A_233 = arith.cmpf oeq, %eq3A_231, %eq3A_232 : vector<128x1792xf32>
    %lt3A_234 = vector.broadcast %get3A_4 : vector<1x1792xi32> to vector<128x1792xi32>
    %lt3A_235 = vector.broadcast %transpose3A_227 : vector<128x1xi32> to vector<128x1792xi32>
    %lt3A_236 = arith.cmpi slt, %lt3A_234, %lt3A_235 : vector<128x1792xi32>
    %and3A_237 = arith.andi %eq3A_233, %lt3A_236 : vector<128x1792xi1>
    %or3A_238 = arith.ori %gt3A_230, %and3A_237 : vector<128x1792xi1>
    %convert_element_type3A_239 = arith.extui %or3A_238 : vector<128x1792xi1> to vector<128x1792xi32>
    %reduce_sum3A_240 = arith.constant dense<0> : vector<128xi32>
    %reduce_sum3A_241 = vector.multi_reduction <add>, %convert_element_type3A_239, %reduce_sum3A_240 [1] : vector<128x1792xi32> to vector<128xi32>
    %broadcast_in_dim3A_242 = vector.shape_cast %reduce_sum3A_241 : vector<128xi32> to vector<128x1xi32>
    %transpose3A_243 = tpu.transpose %broadcast_in_dim3A_242, [1, 0] : vector<128x1xi32> -> vector<1x128xi32>
    %swap3A_244 = arith.constant 0 : index
    %swap3A_245 = arith.constant 1280 : index
    %swap3A_246 = vector.load %arg4[%swap3A_244, %swap3A_245] : memref<1x1792xi32, #tpu.memory_space<vmem>>, vector<1x128xi32>
    tpu.vector_store %arg4[%swap3A_244, %swap3A_245], %transpose3A_243 {strides = array<i32>} : memref<1x1792xi32, #tpu.memory_space<vmem>>, vector<1x128xi32>,
    %slice3A_247 = vector.extract_strided_slice %get3A_1 {offsets = [0, 1408], sizes = [1, 128], strides = [1, 1]} : vector<1x1792xf32> to vector<1x128xf32>
    %transpose3A_248 = tpu.transpose %slice3A_247, [1, 0] : vector<1x128xf32> -> vector<128x1xf32>
    %slice3A_249 = vector.extract_strided_slice %get3A_4 {offsets = [0, 1408], sizes = [1, 128], strides = [1, 1]} : vector<1x1792xi32> to vector<1x128xi32>
    %transpose3A_250 = tpu.transpose %slice3A_249, [1, 0] : vector<1x128xi32> -> vector<128x1xi32>
    %gt3A_251 = vector.broadcast %get3A_1 : vector<1x1792xf32> to vector<128x1792xf32>
    %gt3A_252 = vector.broadcast %transpose3A_248 : vector<128x1xf32> to vector<128x1792xf32>
    %gt3A_253 = arith.cmpf ogt, %gt3A_251, %gt3A_252 : vector<128x1792xf32>
    %eq3A_254 = vector.broadcast %get3A_1 : vector<1x1792xf32> to vector<128x1792xf32>
    %eq3A_255 = vector.broadcast %transpose3A_248 : vector<128x1xf32> to vector<128x1792xf32>
    %eq3A_256 = arith.cmpf oeq, %eq3A_254, %eq3A_255 : vector<128x1792xf32>
    %lt3A_257 = vector.broadcast %get3A_4 : vector<1x1792xi32> to vector<128x1792xi32>
    %lt3A_258 = vector.broadcast %transpose3A_250 : vector<128x1xi32> to vector<128x1792xi32>
    %lt3A_259 = arith.cmpi slt, %lt3A_257, %lt3A_258 : vector<128x1792xi32>
    %and3A_260 = arith.andi %eq3A_256, %lt3A_259 : vector<128x1792xi1>
    %or3A_261 = arith.ori %gt3A_253, %and3A_260 : vector<128x1792xi1>
    %convert_element_type3A_262 = arith.extui %or3A_261 : vector<128x1792xi1> to vector<128x1792xi32>
    %reduce_sum3A_263 = arith.constant dense<0> : vector<128xi32>
    %reduce_sum3A_264 = vector.multi_reduction <add>, %convert_element_type3A_262, %reduce_sum3A_263 [1] : vector<128x1792xi32> to vector<128xi32>
    %broadcast_in_dim3A_265 = vector.shape_cast %reduce_sum3A_264 : vector<128xi32> to vector<128x1xi32>
    %transpose3A_266 = tpu.transpose %broadcast_in_dim3A_265, [1, 0] : vector<128x1xi32> -> vector<1x128xi32>
    %swap3A_267 = arith.constant 0 : index
    %swap3A_268 = arith.constant 1408 : index
    %swap3A_269 = vector.load %arg4[%swap3A_267, %swap3A_268] : memref<1x1792xi32, #tpu.memory_space<vmem>>, vector<1x128xi32>
    tpu.vector_store %arg4[%swap3A_267, %swap3A_268], %transpose3A_266 {strides = array<i32>} : memref<1x1792xi32, #tpu.memory_space<vmem>>, vector<1x128xi32>,
    %slice3A_270 = vector.extract_strided_slice %get3A_1 {offsets = [0, 1536], sizes = [1, 128], strides = [1, 1]} : vector<1x1792xf32> to vector<1x128xf32>
    %transpose3A_271 = tpu.transpose %slice3A_270, [1, 0] : vector<1x128xf32> -> vector<128x1xf32>
    %slice3A_272 = vector.extract_strided_slice %get3A_4 {offsets = [0, 1536], sizes = [1, 128], strides = [1, 1]} : vector<1x1792xi32> to vector<1x128xi32>
    %transpose3A_273 = tpu.transpose %slice3A_272, [1, 0] : vector<1x128xi32> -> vector<128x1xi32>
    %gt3A_274 = vector.broadcast %get3A_1 : vector<1x1792xf32> to vector<128x1792xf32>
    %gt3A_275 = vector.broadcast %transpose3A_271 : vector<128x1xf32> to vector<128x1792xf32>
    %gt3A_276 = arith.cmpf ogt, %gt3A_274, %gt3A_275 : vector<128x1792xf32>
    %eq3A_277 = vector.broadcast %get3A_1 : vector<1x1792xf32> to vector<128x1792xf32>
    %eq3A_278 = vector.broadcast %transpose3A_271 : vector<128x1xf32> to vector<128x1792xf32>
    %eq3A_279 = arith.cmpf oeq, %eq3A_277, %eq3A_278 : vector<128x1792xf32>
    %lt3A_280 = vector.broadcast %get3A_4 : vector<1x1792xi32> to vector<128x1792xi32>
    %lt3A_281 = vector.broadcast %transpose3A_273 : vector<128x1xi32> to vector<128x1792xi32>
    %lt3A_282 = arith.cmpi slt, %lt3A_280, %lt3A_281 : vector<128x1792xi32>
    %and3A_283 = arith.andi %eq3A_279, %lt3A_282 : vector<128x1792xi1>
    %or3A_284 = arith.ori %gt3A_276, %and3A_283 : vector<128x1792xi1>
    %convert_element_type3A_285 = arith.extui %or3A_284 : vector<128x1792xi1> to vector<128x1792xi32>
    %reduce_sum3A_286 = arith.constant dense<0> : vector<128xi32>
    %reduce_sum3A_287 = vector.multi_reduction <add>, %convert_element_type3A_285, %reduce_sum3A_286 [1] : vector<128x1792xi32> to vector<128xi32>
    %broadcast_in_dim3A_288 = vector.shape_cast %reduce_sum3A_287 : vector<128xi32> to vector<128x1xi32>
    %transpose3A_289 = tpu.transpose %broadcast_in_dim3A_288, [1, 0] : vector<128x1xi32> -> vector<1x128xi32>
    %swap3A_290 = arith.constant 0 : index
    %swap3A_291 = arith.constant 1536 : index
    %swap3A_292 = vector.load %arg4[%swap3A_290, %swap3A_291] : memref<1x1792xi32, #tpu.memory_space<vmem>>, vector<1x128xi32>
    tpu.vector_store %arg4[%swap3A_290, %swap3A_291], %transpose3A_289 {strides = array<i32>} : memref<1x1792xi32, #tpu.memory_space<vmem>>, vector<1x128xi32>,
    %slice3A_293 = vector.extract_strided_slice %get3A_1 {offsets = [0, 1664], sizes = [1, 128], strides = [1, 1]} : vector<1x1792xf32> to vector<1x128xf32>
    %transpose3A_294 = tpu.transpose %slice3A_293, [1, 0] : vector<1x128xf32> -> vector<128x1xf32>
    %slice3A_295 = vector.extract_strided_slice %get3A_4 {offsets = [0, 1664], sizes = [1, 128], strides = [1, 1]} : vector<1x1792xi32> to vector<1x128xi32>
    %transpose3A_296 = tpu.transpose %slice3A_295, [1, 0] : vector<1x128xi32> -> vector<128x1xi32>
    %gt3A_297 = vector.broadcast %get3A_1 : vector<1x1792xf32> to vector<128x1792xf32>
    %gt3A_298 = vector.broadcast %transpose3A_294 : vector<128x1xf32> to vector<128x1792xf32>
    %gt3A_299 = arith.cmpf ogt, %gt3A_297, %gt3A_298 : vector<128x1792xf32>
    %eq3A_300 = vector.broadcast %get3A_1 : vector<1x1792xf32> to vector<128x1792xf32>
    %eq3A_301 = vector.broadcast %transpose3A_294 : vector<128x1xf32> to vector<128x1792xf32>
    %eq3A_302 = arith.cmpf oeq, %eq3A_300, %eq3A_301 : vector<128x1792xf32>
    %lt3A_303 = vector.broadcast %get3A_4 : vector<1x1792xi32> to vector<128x1792xi32>
    %lt3A_304 = vector.broadcast %transpose3A_296 : vector<128x1xi32> to vector<128x1792xi32>
    %lt3A_305 = arith.cmpi slt, %lt3A_303, %lt3A_304 : vector<128x1792xi32>
    %and3A_306 = arith.andi %eq3A_302, %lt3A_305 : vector<128x1792xi1>
    %or3A_307 = arith.ori %gt3A_299, %and3A_306 : vector<128x1792xi1>
    %convert_element_type3A_308 = arith.extui %or3A_307 : vector<128x1792xi1> to vector<128x1792xi32>
    %reduce_sum3A_309 = arith.constant dense<0> : vector<128xi32>
    %reduce_sum3A_310 = vector.multi_reduction <add>, %convert_element_type3A_308, %reduce_sum3A_309 [1] : vector<128x1792xi32> to vector<128xi32>
    %broadcast_in_dim3A_311 = vector.shape_cast %reduce_sum3A_310 : vector<128xi32> to vector<128x1xi32>
    %transpose3A_312 = tpu.transpose %broadcast_in_dim3A_311, [1, 0] : vector<128x1xi32> -> vector<1x128xi32>
    %swap3A_313 = arith.constant 0 : index
    %swap3A_314 = arith.constant 1664 : index
    %swap3A_315 = vector.load %arg4[%swap3A_313, %swap3A_314] : memref<1x1792xi32, #tpu.memory_space<vmem>>, vector<1x128xi32>
    tpu.vector_store %arg4[%swap3A_313, %swap3A_314], %transpose3A_312 {strides = array<i32>} : memref<1x1792xi32, #tpu.memory_space<vmem>>, vector<1x128xi32>,
    %get3A_316 = arith.constant 0 : index
    %get3A_317 = arith.constant 0 : index
    %get3A_318 = vector.load %arg4[%get3A_316, %get3A_317] : memref<1x1792xi32, #tpu.memory_space<vmem>>, vector<1x1792xi32>
    %convert_element_type3A_319 = arith.sitofp %get3A_4 : vector<1x1792xi32> to vector<1x1792xf32>
    %iota3A = tpu.iota {dimensions = array<i32: 0>} : vector<128x1xi32>
    %add3A = arith.constant 0 : i32
    %add3A_320 = vector.broadcast %add3A : i32 to vector<128x1xi32>
    %add3A_321 = arith.addi %iota3A, %add3A_320 : vector<128x1xi32>
    %eq3A_322 = vector.broadcast %get3A_318 : vector<1x1792xi32> to vector<128x1792xi32>
    %eq3A_323 = vector.broadcast %add3A_321 : vector<128x1xi32> to vector<128x1792xi32>
    %eq3A_324 = arith.cmpi eq, %eq3A_322, %eq3A_323 : vector<128x1792xi32>
    %jit3A = arith.constant 0xFF800000 : f32
    %broadcast_in_dim3A_325 = vector.shape_cast %get3A_1 : vector<1x1792xf32> to vector<1x1792xf32>
    %broadcast_in_dim3A_326 = vector.broadcast %broadcast_in_dim3A_325 : vector<1x1792xf32> to vector<128x1792xf32>
    %broadcast_in_dim3A_327 = vector.broadcast %jit3A : f32 to vector<128x1792xf32>
    %select_n3A = arith.select %eq3A_324, %broadcast_in_dim3A_326, %broadcast_in_dim3A_327 : vector<128x1792xi1>, vector<128x1792xf32>
    %reduce_max3A = arith.constant dense<0xFF800000> : vector<128xf32>
    %reduce_max3A_328 = vector.multi_reduction <maximumf>, %select_n3A, %reduce_max3A [1] : vector<128x1792xf32> to vector<128xf32>
    %broadcast_in_dim3A_329 = vector.shape_cast %reduce_max3A_328 : vector<128xf32> to vector<128x1xf32>
    %jit3A_330 = arith.constant 0.000000e+00 : f32
    %broadcast_in_dim3A_331 = vector.shape_cast %convert_element_type3A_319 : vector<1x1792xf32> to vector<1x1792xf32>
    %broadcast_in_dim3A_332 = vector.broadcast %broadcast_in_dim3A_331 : vector<1x1792xf32> to vector<128x1792xf32>
    %broadcast_in_dim3A_333 = vector.broadcast %jit3A_330 : f32 to vector<128x1792xf32>
    %select_n3A_334 = arith.select %eq3A_324, %broadcast_in_dim3A_332, %broadcast_in_dim3A_333 : vector<128x1792xi1>, vector<128x1792xf32>
    %reduce_sum3A_335 = arith.constant dense<0.000000e+00> : vector<128xf32>
    %reduce_sum3A_336 = vector.multi_reduction <add>, %select_n3A_334, %reduce_sum3A_335 [1] : vector<128x1792xf32> to vector<128xf32>
    %broadcast_in_dim3A_337 = vector.shape_cast %reduce_sum3A_336 : vector<128xf32> to vector<128x1xf32>
    %transpose3A_338 = tpu.transpose %broadcast_in_dim3A_329, [1, 0] : vector<128x1xf32> -> vector<1x128xf32>
    %swap3A_339 = arith.constant 0 : index
    %swap3A_340 = arith.constant 0 : index
    %swap3A_341 = vector.load %arg2[%swap3A_339, %swap3A_340] : memref<1x1024xf32, #tpu.memory_space<vmem>>, vector<1x128xf32>
    tpu.vector_store %arg2[%swap3A_339, %swap3A_340], %transpose3A_338 {strides = array<i32>} : memref<1x1024xf32, #tpu.memory_space<vmem>>, vector<1x128xf32>,
    %transpose3A_342 = tpu.transpose %broadcast_in_dim3A_337, [1, 0] : vector<128x1xf32> -> vector<1x128xf32>
    %convert_element_type3A_343 = arith.fptosi %transpose3A_342 : vector<1x128xf32> to vector<1x128xi32>
    %swap3A_344 = arith.constant 0 : index
    %swap3A_345 = arith.constant 0 : index
    %swap3A_346 = vector.load %arg3[%swap3A_344, %swap3A_345] : memref<1x1024xi32, #tpu.memory_space<vmem>>, vector<1x128xi32>
    tpu.vector_store %arg3[%swap3A_344, %swap3A_345], %convert_element_type3A_343 {strides = array<i32>} : memref<1x1024xi32, #tpu.memory_space<vmem>>, vector<1x128xi32>,
    %iota3A_347 = tpu.iota {dimensions = array<i32: 0>} : vector<128x1xi32>
    %add3A_348 = arith.constant 128 : i32
    %add3A_349 = vector.broadcast %add3A_348 : i32 to vector<128x1xi32>
    %add3A_350 = arith.addi %iota3A_347, %add3A_349 : vector<128x1xi32>
    %eq3A_351 = vector.broadcast %get3A_318 : vector<1x1792xi32> to vector<128x1792xi32>
    %eq3A_352 = vector.broadcast %add3A_350 : vector<128x1xi32> to vector<128x1792xi32>
    %eq3A_353 = arith.cmpi eq, %eq3A_351, %eq3A_352 : vector<128x1792xi32>
    %jit3A_354 = arith.constant 0xFF800000 : f32
    %broadcast_in_dim3A_355 = vector.shape_cast %get3A_1 : vector<1x1792xf32> to vector<1x1792xf32>
    %broadcast_in_dim3A_356 = vector.broadcast %broadcast_in_dim3A_355 : vector<1x1792xf32> to vector<128x1792xf32>
    %broadcast_in_dim3A_357 = vector.broadcast %jit3A_354 : f32 to vector<128x1792xf32>
    %select_n3A_358 = arith.select %eq3A_353, %broadcast_in_dim3A_356, %broadcast_in_dim3A_357 : vector<128x1792xi1>, vector<128x1792xf32>
    %reduce_max3A_359 = arith.constant dense<0xFF800000> : vector<128xf32>
    %reduce_max3A_360 = vector.multi_reduction <maximumf>, %select_n3A_358, %reduce_max3A_359 [1] : vector<128x1792xf32> to vector<128xf32>
    %broadcast_in_dim3A_361 = vector.shape_cast %reduce_max3A_360 : vector<128xf32> to vector<128x1xf32>
    %jit3A_362 = arith.constant 0.000000e+00 : f32
    %broadcast_in_dim3A_363 = vector.shape_cast %convert_element_type3A_319 : vector<1x1792xf32> to vector<1x1792xf32>
    %broadcast_in_dim3A_364 = vector.broadcast %broadcast_in_dim3A_363 : vector<1x1792xf32> to vector<128x1792xf32>
    %broadcast_in_dim3A_365 = vector.broadcast %jit3A_362 : f32 to vector<128x1792xf32>
    %select_n3A_366 = arith.select %eq3A_353, %broadcast_in_dim3A_364, %broadcast_in_dim3A_365 : vector<128x1792xi1>, vector<128x1792xf32>
    %reduce_sum3A_367 = arith.constant dense<0.000000e+00> : vector<128xf32>
    %reduce_sum3A_368 = vector.multi_reduction <add>, %select_n3A_366, %reduce_sum3A_367 [1] : vector<128x1792xf32> to vector<128xf32>
    %broadcast_in_dim3A_369 = vector.shape_cast %reduce_sum3A_368 : vector<128xf32> to vector<128x1xf32>
    %transpose3A_370 = tpu.transpose %broadcast_in_dim3A_361, [1, 0] : vector<128x1xf32> -> vector<1x128xf32>
    %swap3A_371 = arith.constant 0 : index
    %swap3A_372 = arith.constant 128 : index
    %swap3A_373 = vector.load %arg2[%swap3A_371, %swap3A_372] : memref<1x1024xf32, #tpu.memory_space<vmem>>, vector<1x128xf32>
    tpu.vector_store %arg2[%swap3A_371, %swap3A_372], %transpose3A_370 {strides = array<i32>} : memref<1x1024xf32, #tpu.memory_space<vmem>>, vector<1x128xf32>,
    %transpose3A_374 = tpu.transpose %broadcast_in_dim3A_369, [1, 0] : vector<128x1xf32> -> vector<1x128xf32>
    %convert_element_type3A_375 = arith.fptosi %transpose3A_374 : vector<1x128xf32> to vector<1x128xi32>
    %swap3A_376 = arith.constant 0 : index
    %swap3A_377 = arith.constant 128 : index
    %swap3A_378 = vector.load %arg3[%swap3A_376, %swap3A_377] : memref<1x1024xi32, #tpu.memory_space<vmem>>, vector<1x128xi32>
    tpu.vector_store %arg3[%swap3A_376, %swap3A_377], %convert_element_type3A_375 {strides = array<i32>} : memref<1x1024xi32, #tpu.memory_space<vmem>>, vector<1x128xi32>,
    %iota3A_379 = tpu.iota {dimensions = array<i32: 0>} : vector<128x1xi32>
    %add3A_380 = arith.constant 256 : i32
    %add3A_381 = vector.broadcast %add3A_380 : i32 to vector<128x1xi32>
    %add3A_382 = arith.addi %iota3A_379, %add3A_381 : vector<128x1xi32>
    %eq3A_383 = vector.broadcast %get3A_318 : vector<1x1792xi32> to vector<128x1792xi32>
    %eq3A_384 = vector.broadcast %add3A_382 : vector<128x1xi32> to vector<128x1792xi32>
    %eq3A_385 = arith.cmpi eq, %eq3A_383, %eq3A_384 : vector<128x1792xi32>
    %jit3A_386 = arith.constant 0xFF800000 : f32
    %broadcast_in_dim3A_387 = vector.shape_cast %get3A_1 : vector<1x1792xf32> to vector<1x1792xf32>
    %broadcast_in_dim3A_388 = vector.broadcast %broadcast_in_dim3A_387 : vector<1x1792xf32> to vector<128x1792xf32>
    %broadcast_in_dim3A_389 = vector.broadcast %jit3A_386 : f32 to vector<128x1792xf32>
    %select_n3A_390 = arith.select %eq3A_385, %broadcast_in_dim3A_388, %broadcast_in_dim3A_389 : vector<128x1792xi1>, vector<128x1792xf32>
    %reduce_max3A_391 = arith.constant dense<0xFF800000> : vector<128xf32>
    %reduce_max3A_392 = vector.multi_reduction <maximumf>, %select_n3A_390, %reduce_max3A_391 [1] : vector<128x1792xf32> to vector<128xf32>
    %broadcast_in_dim3A_393 = vector.shape_cast %reduce_max3A_392 : vector<128xf32> to vector<128x1xf32>
    %jit3A_394 = arith.constant 0.000000e+00 : f32
    %broadcast_in_dim3A_395 = vector.shape_cast %convert_element_type3A_319 : vector<1x1792xf32> to vector<1x1792xf32>
    %broadcast_in_dim3A_396 = vector.broadcast %broadcast_in_dim3A_395 : vector<1x1792xf32> to vector<128x1792xf32>
    %broadcast_in_dim3A_397 = vector.broadcast %jit3A_394 : f32 to vector<128x1792xf32>
    %select_n3A_398 = arith.select %eq3A_385, %broadcast_in_dim3A_396, %broadcast_in_dim3A_397 : vector<128x1792xi1>, vector<128x1792xf32>
    %reduce_sum3A_399 = arith.constant dense<0.000000e+00> : vector<128xf32>
    %reduce_sum3A_400 = vector.multi_reduction <add>, %select_n3A_398, %reduce_sum3A_399 [1] : vector<128x1792xf32> to vector<128xf32>
    %broadcast_in_dim3A_401 = vector.shape_cast %reduce_sum3A_400 : vector<128xf32> to vector<128x1xf32>
    %transpose3A_402 = tpu.transpose %broadcast_in_dim3A_393, [1, 0] : vector<128x1xf32> -> vector<1x128xf32>
    %swap3A_403 = arith.constant 0 : index
    %swap3A_404 = arith.constant 256 : index
    %swap3A_405 = vector.load %arg2[%swap3A_403, %swap3A_404] : memref<1x1024xf32, #tpu.memory_space<vmem>>, vector<1x128xf32>
    tpu.vector_store %arg2[%swap3A_403, %swap3A_404], %transpose3A_402 {strides = array<i32>} : memref<1x1024xf32, #tpu.memory_space<vmem>>, vector<1x128xf32>,
    %transpose3A_406 = tpu.transpose %broadcast_in_dim3A_401, [1, 0] : vector<128x1xf32> -> vector<1x128xf32>
    %convert_element_type3A_407 = arith.fptosi %transpose3A_406 : vector<1x128xf32> to vector<1x128xi32>
    %swap3A_408 = arith.constant 0 : index
    %swap3A_409 = arith.constant 256 : index
    %swap3A_410 = vector.load %arg3[%swap3A_408, %swap3A_409] : memref<1x1024xi32, #tpu.memory_space<vmem>>, vector<1x128xi32>
    tpu.vector_store %arg3[%swap3A_408, %swap3A_409], %convert_element_type3A_407 {strides = array<i32>} : memref<1x1024xi32, #tpu.memory_space<vmem>>, vector<1x128xi32>,
    %iota3A_411 = tpu.iota {dimensions = array<i32: 0>} : vector<128x1xi32>
    %add3A_412 = arith.constant 384 : i32
    %add3A_413 = vector.broadcast %add3A_412 : i32 to vector<128x1xi32>
    %add3A_414 = arith.addi %iota3A_411, %add3A_413 : vector<128x1xi32>
    %eq3A_415 = vector.broadcast %get3A_318 : vector<1x1792xi32> to vector<128x1792xi32>
    %eq3A_416 = vector.broadcast %add3A_414 : vector<128x1xi32> to vector<128x1792xi32>
    %eq3A_417 = arith.cmpi eq, %eq3A_415, %eq3A_416 : vector<128x1792xi32>
    %jit3A_418 = arith.constant 0xFF800000 : f32
    %broadcast_in_dim3A_419 = vector.shape_cast %get3A_1 : vector<1x1792xf32> to vector<1x1792xf32>
    %broadcast_in_dim3A_420 = vector.broadcast %broadcast_in_dim3A_419 : vector<1x1792xf32> to vector<128x1792xf32>
    %broadcast_in_dim3A_421 = vector.broadcast %jit3A_418 : f32 to vector<128x1792xf32>
    %select_n3A_422 = arith.select %eq3A_417, %broadcast_in_dim3A_420, %broadcast_in_dim3A_421 : vector<128x1792xi1>, vector<128x1792xf32>
    %reduce_max3A_423 = arith.constant dense<0xFF800000> : vector<128xf32>
    %reduce_max3A_424 = vector.multi_reduction <maximumf>, %select_n3A_422, %reduce_max3A_423 [1] : vector<128x1792xf32> to vector<128xf32>
    %broadcast_in_dim3A_425 = vector.shape_cast %reduce_max3A_424 : vector<128xf32> to vector<128x1xf32>
    %jit3A_426 = arith.constant 0.000000e+00 : f32
    %broadcast_in_dim3A_427 = vector.shape_cast %convert_element_type3A_319 : vector<1x1792xf32> to vector<1x1792xf32>
    %broadcast_in_dim3A_428 = vector.broadcast %broadcast_in_dim3A_427 : vector<1x1792xf32> to vector<128x1792xf32>
    %broadcast_in_dim3A_429 = vector.broadcast %jit3A_426 : f32 to vector<128x1792xf32>
    %select_n3A_430 = arith.select %eq3A_417, %broadcast_in_dim3A_428, %broadcast_in_dim3A_429 : vector<128x1792xi1>, vector<128x1792xf32>
    %reduce_sum3A_431 = arith.constant dense<0.000000e+00> : vector<128xf32>
    %reduce_sum3A_432 = vector.multi_reduction <add>, %select_n3A_430, %reduce_sum3A_431 [1] : vector<128x1792xf32> to vector<128xf32>
    %broadcast_in_dim3A_433 = vector.shape_cast %reduce_sum3A_432 : vector<128xf32> to vector<128x1xf32>
    %transpose3A_434 = tpu.transpose %broadcast_in_dim3A_425, [1, 0] : vector<128x1xf32> -> vector<1x128xf32>
    %swap3A_435 = arith.constant 0 : index
    %swap3A_436 = arith.constant 384 : index
    %swap3A_437 = vector.load %arg2[%swap3A_435, %swap3A_436] : memref<1x1024xf32, #tpu.memory_space<vmem>>, vector<1x128xf32>
    tpu.vector_store %arg2[%swap3A_435, %swap3A_436], %transpose3A_434 {strides = array<i32>} : memref<1x1024xf32, #tpu.memory_space<vmem>>, vector<1x128xf32>,
    %transpose3A_438 = tpu.transpose %broadcast_in_dim3A_433, [1, 0] : vector<128x1xf32> -> vector<1x128xf32>
    %convert_element_type3A_439 = arith.fptosi %transpose3A_438 : vector<1x128xf32> to vector<1x128xi32>
    %swap3A_440 = arith.constant 0 : index
    %swap3A_441 = arith.constant 384 : index
    %swap3A_442 = vector.load %arg3[%swap3A_440, %swap3A_441] : memref<1x1024xi32, #tpu.memory_space<vmem>>, vector<1x128xi32>
    tpu.vector_store %arg3[%swap3A_440, %swap3A_441], %convert_element_type3A_439 {strides = array<i32>} : memref<1x1024xi32, #tpu.memory_space<vmem>>, vector<1x128xi32>,
    %iota3A_443 = tpu.iota {dimensions = array<i32: 0>} : vector<128x1xi32>
    %add3A_444 = arith.constant 512 : i32
    %add3A_445 = vector.broadcast %add3A_444 : i32 to vector<128x1xi32>
    %add3A_446 = arith.addi %iota3A_443, %add3A_445 : vector<128x1xi32>
    %eq3A_447 = vector.broadcast %get3A_318 : vector<1x1792xi32> to vector<128x1792xi32>
    %eq3A_448 = vector.broadcast %add3A_446 : vector<128x1xi32> to vector<128x1792xi32>
    %eq3A_449 = arith.cmpi eq, %eq3A_447, %eq3A_448 : vector<128x1792xi32>
    %jit3A_450 = arith.constant 0xFF800000 : f32
    %broadcast_in_dim3A_451 = vector.shape_cast %get3A_1 : vector<1x1792xf32> to vector<1x1792xf32>
    %broadcast_in_dim3A_452 = vector.broadcast %broadcast_in_dim3A_451 : vector<1x1792xf32> to vector<128x1792xf32>
    %broadcast_in_dim3A_453 = vector.broadcast %jit3A_450 : f32 to vector<128x1792xf32>
    %select_n3A_454 = arith.select %eq3A_449, %broadcast_in_dim3A_452, %broadcast_in_dim3A_453 : vector<128x1792xi1>, vector<128x1792xf32>
    %reduce_max3A_455 = arith.constant dense<0xFF800000> : vector<128xf32>
    %reduce_max3A_456 = vector.multi_reduction <maximumf>, %select_n3A_454, %reduce_max3A_455 [1] : vector<128x1792xf32> to vector<128xf32>
    %broadcast_in_dim3A_457 = vector.shape_cast %reduce_max3A_456 : vector<128xf32> to vector<128x1xf32>
    %jit3A_458 = arith.constant 0.000000e+00 : f32
    %broadcast_in_dim3A_459 = vector.shape_cast %convert_element_type3A_319 : vector<1x1792xf32> to vector<1x1792xf32>
    %broadcast_in_dim3A_460 = vector.broadcast %broadcast_in_dim3A_459 : vector<1x1792xf32> to vector<128x1792xf32>
    %broadcast_in_dim3A_461 = vector.broadcast %jit3A_458 : f32 to vector<128x1792xf32>
    %select_n3A_462 = arith.select %eq3A_449, %broadcast_in_dim3A_460, %broadcast_in_dim3A_461 : vector<128x1792xi1>, vector<128x1792xf32>
    %reduce_sum3A_463 = arith.constant dense<0.000000e+00> : vector<128xf32>
    %reduce_sum3A_464 = vector.multi_reduction <add>, %select_n3A_462, %reduce_sum3A_463 [1] : vector<128x1792xf32> to vector<128xf32>
    %broadcast_in_dim3A_465 = vector.shape_cast %reduce_sum3A_464 : vector<128xf32> to vector<128x1xf32>
    %transpose3A_466 = tpu.transpose %broadcast_in_dim3A_457, [1, 0] : vector<128x1xf32> -> vector<1x128xf32>
    %swap3A_467 = arith.constant 0 : index
    %swap3A_468 = arith.constant 512 : index
    %swap3A_469 = vector.load %arg2[%swap3A_467, %swap3A_468] : memref<1x1024xf32, #tpu.memory_space<vmem>>, vector<1x128xf32>
    tpu.vector_store %arg2[%swap3A_467, %swap3A_468], %transpose3A_466 {strides = array<i32>} : memref<1x1024xf32, #tpu.memory_space<vmem>>, vector<1x128xf32>,
    %transpose3A_470 = tpu.transpose %broadcast_in_dim3A_465, [1, 0] : vector<128x1xf32> -> vector<1x128xf32>
    %convert_element_type3A_471 = arith.fptosi %transpose3A_470 : vector<1x128xf32> to vector<1x128xi32>
    %swap3A_472 = arith.constant 0 : index
    %swap3A_473 = arith.constant 512 : index
    %swap3A_474 = vector.load %arg3[%swap3A_472, %swap3A_473] : memref<1x1024xi32, #tpu.memory_space<vmem>>, vector<1x128xi32>
    tpu.vector_store %arg3[%swap3A_472, %swap3A_473], %convert_element_type3A_471 {strides = array<i32>} : memref<1x1024xi32, #tpu.memory_space<vmem>>, vector<1x128xi32>,
    %iota3A_475 = tpu.iota {dimensions = array<i32: 0>} : vector<128x1xi32>
    %add3A_476 = arith.constant 640 : i32
    %add3A_477 = vector.broadcast %add3A_476 : i32 to vector<128x1xi32>
    %add3A_478 = arith.addi %iota3A_475, %add3A_477 : vector<128x1xi32>
    %eq3A_479 = vector.broadcast %get3A_318 : vector<1x1792xi32> to vector<128x1792xi32>
    %eq3A_480 = vector.broadcast %add3A_478 : vector<128x1xi32> to vector<128x1792xi32>
    %eq3A_481 = arith.cmpi eq, %eq3A_479, %eq3A_480 : vector<128x1792xi32>
    %jit3A_482 = arith.constant 0xFF800000 : f32
    %broadcast_in_dim3A_483 = vector.shape_cast %get3A_1 : vector<1x1792xf32> to vector<1x1792xf32>
    %broadcast_in_dim3A_484 = vector.broadcast %broadcast_in_dim3A_483 : vector<1x1792xf32> to vector<128x1792xf32>
    %broadcast_in_dim3A_485 = vector.broadcast %jit3A_482 : f32 to vector<128x1792xf32>
    %select_n3A_486 = arith.select %eq3A_481, %broadcast_in_dim3A_484, %broadcast_in_dim3A_485 : vector<128x1792xi1>, vector<128x1792xf32>
    %reduce_max3A_487 = arith.constant dense<0xFF800000> : vector<128xf32>
    %reduce_max3A_488 = vector.multi_reduction <maximumf>, %select_n3A_486, %reduce_max3A_487 [1] : vector<128x1792xf32> to vector<128xf32>
    %broadcast_in_dim3A_489 = vector.shape_cast %reduce_max3A_488 : vector<128xf32> to vector<128x1xf32>
    %jit3A_490 = arith.constant 0.000000e+00 : f32
    %broadcast_in_dim3A_491 = vector.shape_cast %convert_element_type3A_319 : vector<1x1792xf32> to vector<1x1792xf32>
    %broadcast_in_dim3A_492 = vector.broadcast %broadcast_in_dim3A_491 : vector<1x1792xf32> to vector<128x1792xf32>
    %broadcast_in_dim3A_493 = vector.broadcast %jit3A_490 : f32 to vector<128x1792xf32>
    %select_n3A_494 = arith.select %eq3A_481, %broadcast_in_dim3A_492, %broadcast_in_dim3A_493 : vector<128x1792xi1>, vector<128x1792xf32>
    %reduce_sum3A_495 = arith.constant dense<0.000000e+00> : vector<128xf32>
    %reduce_sum3A_496 = vector.multi_reduction <add>, %select_n3A_494, %reduce_sum3A_495 [1] : vector<128x1792xf32> to vector<128xf32>
    %broadcast_in_dim3A_497 = vector.shape_cast %reduce_sum3A_496 : vector<128xf32> to vector<128x1xf32>
    %transpose3A_498 = tpu.transpose %broadcast_in_dim3A_489, [1, 0] : vector<128x1xf32> -> vector<1x128xf32>
    %swap3A_499 = arith.constant 0 : index
    %swap3A_500 = arith.constant 640 : index
    %swap3A_501 = vector.load %arg2[%swap3A_499, %swap3A_500] : memref<1x1024xf32, #tpu.memory_space<vmem>>, vector<1x128xf32>
    tpu.vector_store %arg2[%swap3A_499, %swap3A_500], %transpose3A_498 {strides = array<i32>} : memref<1x1024xf32, #tpu.memory_space<vmem>>, vector<1x128xf32>,
    %transpose3A_502 = tpu.transpose %broadcast_in_dim3A_497, [1, 0] : vector<128x1xf32> -> vector<1x128xf32>
    %convert_element_type3A_503 = arith.fptosi %transpose3A_502 : vector<1x128xf32> to vector<1x128xi32>
    %swap3A_504 = arith.constant 0 : index
    %swap3A_505 = arith.constant 640 : index
    %swap3A_506 = vector.load %arg3[%swap3A_504, %swap3A_505] : memref<1x1024xi32, #tpu.memory_space<vmem>>, vector<1x128xi32>
    tpu.vector_store %arg3[%swap3A_504, %swap3A_505], %convert_element_type3A_503 {strides = array<i32>} : memref<1x1024xi32, #tpu.memory_space<vmem>>, vector<1x128xi32>,
    %iota3A_507 = tpu.iota {dimensions = array<i32: 0>} : vector<128x1xi32>
    %add3A_508 = arith.constant 768 : i32
    %add3A_509 = vector.broadcast %add3A_508 : i32 to vector<128x1xi32>
    %add3A_510 = arith.addi %iota3A_507, %add3A_509 : vector<128x1xi32>
    %eq3A_511 = vector.broadcast %get3A_318 : vector<1x1792xi32> to vector<128x1792xi32>
    %eq3A_512 = vector.broadcast %add3A_510 : vector<128x1xi32> to vector<128x1792xi32>
    %eq3A_513 = arith.cmpi eq, %eq3A_511, %eq3A_512 : vector<128x1792xi32>
    %jit3A_514 = arith.constant 0xFF800000 : f32
    %broadcast_in_dim3A_515 = vector.shape_cast %get3A_1 : vector<1x1792xf32> to vector<1x1792xf32>
    %broadcast_in_dim3A_516 = vector.broadcast %broadcast_in_dim3A_515 : vector<1x1792xf32> to vector<128x1792xf32>
    %broadcast_in_dim3A_517 = vector.broadcast %jit3A_514 : f32 to vector<128x1792xf32>
    %select_n3A_518 = arith.select %eq3A_513, %broadcast_in_dim3A_516, %broadcast_in_dim3A_517 : vector<128x1792xi1>, vector<128x1792xf32>
    %reduce_max3A_519 = arith.constant dense<0xFF800000> : vector<128xf32>
    %reduce_max3A_520 = vector.multi_reduction <maximumf>, %select_n3A_518, %reduce_max3A_519 [1] : vector<128x1792xf32> to vector<128xf32>
    %broadcast_in_dim3A_521 = vector.shape_cast %reduce_max3A_520 : vector<128xf32> to vector<128x1xf32>
    %jit3A_522 = arith.constant 0.000000e+00 : f32
    %broadcast_in_dim3A_523 = vector.shape_cast %convert_element_type3A_319 : vector<1x1792xf32> to vector<1x1792xf32>
    %broadcast_in_dim3A_524 = vector.broadcast %broadcast_in_dim3A_523 : vector<1x1792xf32> to vector<128x1792xf32>
    %broadcast_in_dim3A_525 = vector.broadcast %jit3A_522 : f32 to vector<128x1792xf32>
    %select_n3A_526 = arith.select %eq3A_513, %broadcast_in_dim3A_524, %broadcast_in_dim3A_525 : vector<128x1792xi1>, vector<128x1792xf32>
    %reduce_sum3A_527 = arith.constant dense<0.000000e+00> : vector<128xf32>
    %reduce_sum3A_528 = vector.multi_reduction <add>, %select_n3A_526, %reduce_sum3A_527 [1] : vector<128x1792xf32> to vector<128xf32>
    %broadcast_in_dim3A_529 = vector.shape_cast %reduce_sum3A_528 : vector<128xf32> to vector<128x1xf32>
    %transpose3A_530 = tpu.transpose %broadcast_in_dim3A_521, [1, 0] : vector<128x1xf32> -> vector<1x128xf32>
    %swap3A_531 = arith.constant 0 : index
    %swap3A_532 = arith.constant 768 : index
    %swap3A_533 = vector.load %arg2[%swap3A_531, %swap3A_532] : memref<1x1024xf32, #tpu.memory_space<vmem>>, vector<1x128xf32>
    tpu.vector_store %arg2[%swap3A_531, %swap3A_532], %transpose3A_530 {strides = array<i32>} : memref<1x1024xf32, #tpu.memory_space<vmem>>, vector<1x128xf32>,
    %transpose3A_534 = tpu.transpose %broadcast_in_dim3A_529, [1, 0] : vector<128x1xf32> -> vector<1x128xf32>
    %convert_element_type3A_535 = arith.fptosi %transpose3A_534 : vector<1x128xf32> to vector<1x128xi32>
    %swap3A_536 = arith.constant 0 : index
    %swap3A_537 = arith.constant 768 : index
    %swap3A_538 = vector.load %arg3[%swap3A_536, %swap3A_537] : memref<1x1024xi32, #tpu.memory_space<vmem>>, vector<1x128xi32>
    tpu.vector_store %arg3[%swap3A_536, %swap3A_537], %convert_element_type3A_535 {strides = array<i32>} : memref<1x1024xi32, #tpu.memory_space<vmem>>, vector<1x128xi32>,
    %iota3A_539 = tpu.iota {dimensions = array<i32: 0>} : vector<128x1xi32>
    %add3A_540 = arith.constant 896 : i32
    %add3A_541 = vector.broadcast %add3A_540 : i32 to vector<128x1xi32>
    %add3A_542 = arith.addi %iota3A_539, %add3A_541 : vector<128x1xi32>
    %eq3A_543 = vector.broadcast %get3A_318 : vector<1x1792xi32> to vector<128x1792xi32>
    %eq3A_544 = vector.broadcast %add3A_542 : vector<128x1xi32> to vector<128x1792xi32>
    %eq3A_545 = arith.cmpi eq, %eq3A_543, %eq3A_544 : vector<128x1792xi32>
    %jit3A_546 = arith.constant 0xFF800000 : f32
    %broadcast_in_dim3A_547 = vector.shape_cast %get3A_1 : vector<1x1792xf32> to vector<1x1792xf32>
    %broadcast_in_dim3A_548 = vector.broadcast %broadcast_in_dim3A_547 : vector<1x1792xf32> to vector<128x1792xf32>
    %broadcast_in_dim3A_549 = vector.broadcast %jit3A_546 : f32 to vector<128x1792xf32>
    %select_n3A_550 = arith.select %eq3A_545, %broadcast_in_dim3A_548, %broadcast_in_dim3A_549 : vector<128x1792xi1>, vector<128x1792xf32>
    %reduce_max3A_551 = arith.constant dense<0xFF800000> : vector<128xf32>
    %reduce_max3A_552 = vector.multi_reduction <maximumf>, %select_n3A_550, %reduce_max3A_551 [1] : vector<128x1792xf32> to vector<128xf32>
    %broadcast_in_dim3A_553 = vector.shape_cast %reduce_max3A_552 : vector<128xf32> to vector<128x1xf32>
    %jit3A_554 = arith.constant 0.000000e+00 : f32
    %broadcast_in_dim3A_555 = vector.shape_cast %convert_element_type3A_319 : vector<1x1792xf32> to vector<1x1792xf32>
    %broadcast_in_dim3A_556 = vector.broadcast %broadcast_in_dim3A_555 : vector<1x1792xf32> to vector<128x1792xf32>
    %broadcast_in_dim3A_557 = vector.broadcast %jit3A_554 : f32 to vector<128x1792xf32>
    %select_n3A_558 = arith.select %eq3A_545, %broadcast_in_dim3A_556, %broadcast_in_dim3A_557 : vector<128x1792xi1>, vector<128x1792xf32>
    %reduce_sum3A_559 = arith.constant dense<0.000000e+00> : vector<128xf32>
    %reduce_sum3A_560 = vector.multi_reduction <add>, %select_n3A_558, %reduce_sum3A_559 [1] : vector<128x1792xf32> to vector<128xf32>
    %broadcast_in_dim3A_561 = vector.shape_cast %reduce_sum3A_560 : vector<128xf32> to vector<128x1xf32>
    %transpose3A_562 = tpu.transpose %broadcast_in_dim3A_553, [1, 0] : vector<128x1xf32> -> vector<1x128xf32>
    %swap3A_563 = arith.constant 0 : index
    %swap3A_564 = arith.constant 896 : index
    %swap3A_565 = vector.load %arg2[%swap3A_563, %swap3A_564] : memref<1x1024xf32, #tpu.memory_space<vmem>>, vector<1x128xf32>
    tpu.vector_store %arg2[%swap3A_563, %swap3A_564], %transpose3A_562 {strides = array<i32>} : memref<1x1024xf32, #tpu.memory_space<vmem>>, vector<1x128xf32>,
    %transpose3A_566 = tpu.transpose %broadcast_in_dim3A_561, [1, 0] : vector<128x1xf32> -> vector<1x128xf32>
    %convert_element_type3A_567 = arith.fptosi %transpose3A_566 : vector<1x128xf32> to vector<1x128xi32>
    %swap3A_568 = arith.constant 0 : index
    %swap3A_569 = arith.constant 896 : index
    %swap3A_570 = vector.load %arg3[%swap3A_568, %swap3A_569] : memref<1x1024xi32, #tpu.memory_space<vmem>>, vector<1x128xi32>
    tpu.vector_store %arg3[%swap3A_568, %swap3A_569], %convert_element_type3A_567 {strides = array<i32>} : memref<1x1024xi32, #tpu.memory_space<vmem>>, vector<1x128xi32>,
    return
  }
}

</mosaic_0001>

<sc_bundles>
// kernel: kernel.6.cloned.1.call-start
scs
__scs_entry_jumppad:
0x0: {  	(pc) =	sbr.rel $0x88, $3  }
0x1: {  	(tag) =	ssettag $0x0;
	lr =	simm.s32 $0x1  }
0x2: {  	[smem:$0x3FA0] =	sst lr;
	_ =	strace $0xD0000000  }
0x3: {  	_ = 	snop  }
0x4: {  	_ = 	snop  }
0x5: {  	_ = 	snop  }
0x6: {  	_ = 	snop  }
0x7: {  	_ = 	snop  }
__scs_overlays_trampoline_lowered:
0x8: {  	[smem:$0x3FAF] =	sst s0  }
0x9: {  	[smem:$0x3FB0] =	sst s1  }
0xa: {  	[smem:$0x3FB1] =	sst s2  }
0xb: {  	[smem:$0x3FB2] =	sst s3  }
0xc: {  	[smem:$0x3FB3] =	sst s4  }
0xd: {  	[smem:$0x3FB4] =	sst s5  }
0xe: {  	[smem:$0x3FB5] =	sst s6  }
0xf: {  	[smem:$0x3FB6] =	sst s7  }
0x10: {  	[smem:$0x3FB7] =	sst s8  }
0x11: {  	[smem:$0x3FB8] =	sst s9;
	s0 =	simm.s32 @!p0 $0x0  }
0x12: {  	s1 =	sld [smem:$0x3F9E];
	s0 =	simm.s32 @p0 $0x1  }
0x13: {  	[smem:$0x3FB9] =	sst s0;
	s0 =	simm.s32 @!p1 $0x0  }
0x14: {  	s2 =	sld [smem:$0x3F9D];
	s0 =	simm.s32 @p1 $0x1  }
0x15: {  	[smem:$0x3FBA] =	sst s0;
	s0 =	simm.s32 @!p2 $0x0  }
0x16: {  	s3 =	sld [smem:$0x3FDB];
	s0 =	simm.s32 @p2 $0x1  }
0x17: {  	s4 =	simm.s32 $0x1BF5;
	[smem:$0x3FBC] =	sst s0  }
0x18: {  	s0 =	sld [smem:$0x3F9F];
	_ =	swait.ge [sflag:s4], $0x0  }
0x19: {  	s7 =	sld [smem:$0x3FA0]  }
0x1a: {  	s8 =	sadd.s32 $0xFFFFE003, lr  }
0x1b: {  	s9 =	sadd.s32 $0xFFFFFEF7, lr;
	s5 =	simm.s32 $0xFFFFFFFF;
	p2 =	slt.u32 s8, $0xFFFFF086  }
0x1c: {  	p1 =	slt.u32 s9, $0xF7A;
	s5 =	simm.s32 @!p2 $0x0  }
0x1d: {  	s5 =	simm.s32 @p1 $0x1;
	p0 =	seq.s32 s7, s2  }
0x1e: {  	s7 =	smul.u32 @!p0 $0xF7A, s2;
	p2 =	seq.s32 @!p0 s5, $0x0  }
0x1f: {  	s9 =	smul.u32 $0xF7A, s1;
	s8 =	simm.s32 @!p0 $0x1BF5;
	p2 =	por !p2, p0  }
0x20: {  	[sflag:s8] =	ssyncset.s32 @!p0 $0xFFFFF086;
	s6 =	sadd.s32 @!p0 s3, s7;
	s7 =	simm.s32 @!p0 $0x108  }
0x21: {  	s3 =	sadd.s32 s3, s9;
	s6 =	sadd.s32 @!p0 $0x88, s6;
	s7 =	simm.s32 @p2 $0x1082  }
0x22: {  	[simem:s7], [sflag:s8] =	dma.local @!p0 [hbm:s6], $0xF7A  }
0x23: {  	s9 =	sor.u32 $0xD0000000, s2;
	s6 =	simm.s32 $0x108;
	_ =	swait.ge @!p0 [sflag:s8], $0x0  }
0x24: {  	s3 =	sadd.s32 $0x88, s3;
	s6 =	simm.s32 @!p1 $0x1082;
	[sflag:s4] =	ssyncset.s32 $0xFFFFF086  }
0x25: {  	[simem:s6], [sflag:s4] =	dma.local [hbm:s3], $0xF7A  }
0x26: {  	[smem:$0x3FA0] =	sst s1;
	(tag) =	ssettag s2;
	_ =	strace s9  }
0x27: {  	s1 =	sld [smem:$0x3FB0]  }
0x28: {  	s2 =	sld [smem:$0x3FB1]  }
0x29: {  	s4 =	sld [smem:$0x3FB3]  }
0x2a: {  	p0 =	seq.s32 s5, $0x0;
	s5 =	sld [smem:$0x3FB4]  }
0x2b: {  	s6 =	sld [smem:$0x3FB5]  }
0x2c: {  	s7 =	sld [smem:$0x3FB6]  }
0x2d: {  	s3 =	simm.s32 $0x108;
	s8 =	sld [smem:$0x3FB7]  }
0x2e: {  	s3 =	simm.s32 @!p0 $0x1082;
	s9 =	sld [smem:$0x3FB8]  }
0x2f: {  	lr =	sadd.s32 s0, s3;
	s0 =	sld [smem:$0x3FAF]  }
0x30: {  	s3 =	sld [smem:$0x3FB2]  }
0x31: {  	[smem:$0x3FBB] =	sst s10  }
0x32: {  	s10 =	sld [smem:$0x3FB9];
	_ =	sdelay $0x3  }
0x33: {  	p0 =	seq.s32 s10, $0x1;
	s10 =	sld [smem:$0x3FBB];
	_ =	sdelay $0x3  }
0x34: {  	[smem:$0x3FBB] =	sst s10  }
0x35: {  	s10 =	sld [smem:$0x3FBA];
	_ =	sdelay $0x3  }
0x36: {  	p1 =	seq.s32 s10, $0x1;
	s10 =	sld [smem:$0x3FBB];
	_ =	sdelay $0x3  }
0x37: {  	[smem:$0x3FBB] =	sst s10  }
0x38: {  	s10 =	sld [smem:$0x3FBC]  }
0x39: {  	_ = 	snop;
	(pc) =	sbr.ind lr, $3  }
0x3a: {  	_ = 	snop  }
0x3b: {  	_ = 	snop  }
0x3c: {  	p2 =	seq.s32 s10, $0x1;
	s10 =	sld [smem:$0x3FBB]  }
0x3d: {  	_ =	shalt  }
0x3e: {  	_ =	shalt  }
0x3f: {  	_ =	shalt  }
0x40: {  	_ =	shalt  }
0x41: {  	_ =	shalt  }
0x42: {  	_ =	shalt  }
0x43: {  	_ =	shalt  }
0x44: {  	_ =	shalt  }
0x45: {  	_ =	shalt  }
0x46: {  	_ =	shalt  }
0x47: {  	_ =	shalt  }
0x48: {  	_ =	shalt  }
0x49: {  	_ =	shalt  }
0x4a: {  	_ =	shalt  }
0x4b: {  	_ =	shalt  }
0x4c: {  	_ =	shalt  }
0x4d: {  	_ =	shalt  }
0x4e: {  	_ =	shalt  }
0x4f: {  	_ =	shalt  }
0x50: {  	_ =	shalt  }
0x51: {  	_ =	shalt  }
0x52: {  	_ =	shalt  }
0x53: {  	_ =	shalt  }
0x54: {  	_ =	shalt  }
0x55: {  	_ =	shalt  }
0x56: {  	_ =	shalt  }
0x57: {  	_ =	shalt  }
0x58: {  	_ =	shalt  }
0x59: {  	_ =	shalt  }
0x5a: {  	_ =	shalt  }
0x5b: {  	_ =	shalt  }
0x5c: {  	_ =	shalt  }
0x5d: {  	_ =	shalt  }
0x5e: {  	_ =	shalt  }
0x5f: {  	_ =	shalt  }
0x60: {  	_ =	shalt  }
0x61: {  	_ =	shalt  }
0x62: {  	_ =	shalt  }
0x63: {  	_ =	shalt  }
0x64: {  	_ =	shalt  }
0x65: {  	_ =	shalt  }
0x66: {  	_ =	shalt  }
0x67: {  	_ =	shalt  }
0x68: {  	_ =	shalt  }
0x69: {  	_ =	shalt  }
0x6a: {  	_ =	shalt  }
0x6b: {  	_ =	shalt  }
0x6c: {  	_ =	shalt  }
0x6d: {  	_ =	shalt  }
0x6e: {  	_ =	shalt  }
0x6f: {  	_ =	shalt  }
0x70: {  	_ =	shalt  }
0x71: {  	_ =	shalt  }
0x72: {  	_ =	shalt  }
0x73: {  	_ =	shalt  }
0x74: {  	_ =	shalt  }
0x75: {  	_ =	shalt  }
0x76: {  	_ =	shalt  }
0x77: {  	_ =	shalt  }
0x78: {  	_ =	shalt  }
0x79: {  	_ =	shalt  }
0x7a: {  	_ =	shalt  }
0x7b: {  	_ =	shalt  }
0x7c: {  	_ =	shalt  }
0x7d: {  	_ =	shalt  }
0x7e: {  	_ =	shalt  }
0x7f: {  	_ =	shalt  }
0x80: {  	_ =	shalt  }
0x81: {  	_ =	shalt  }
0x82: {  	_ =	shalt  }
0x83: {  	_ =	shalt  }
0x84: {  	_ =	shalt  }
0x85: {  	_ =	shalt  }
0x86: {  	_ =	shalt  }
0x87: {  	_ =	shalt  }
.Lfunc_end0:
.L_simem_size_0:
called_computation_lowered:
.L_overlay_start_0:
0x88: {  	s2 =	sld [smem:$0x3FD9]  }
0x89: {  	s3 =	sld [smem:$0x3FFE];
	_ =	sdelay $0x1  }
0x8a: {  	s1 =	srdreg.scid  }
0x8b: {  	s0 =	sand.u32 $0x1, s1  }
0x8c: {  	s14 =	sshll.u32 s0, $0xA;
	s2 =	sadd.s32 s3, s2  }
0x8d: {  	s2 =	sadd.s32 s2, s14  }
0x8e: {  	[smem:$0x3FC7] =	sst s2  }
0x8f: {  	_ = 	snop  }
0x90: {  	s2 =	sld [smem:$0x3FD0];
	_ =	sdelay $0x2  }
0x91: {  	s15 =	simm.s32 $0xA;
	s4 =	simm.s32 $0x10  }
0x92: {  	[smem:s4], [sflag:s15] =	dma.local [hbm:s2], $0x1  }
0x93: {  	_ =	swait.eq [sflag:s15], $0x1  }
0x94: {  	[sflag:s15] =	ssyncset.done $0x0  }
0x95: {  	[sflag:s15] =	ssyncadd.s32 $0xFFFFFFFF  }
0x96: {  	s16 =	sld [smem:$0x11];
	(tm) =	ssettm $0x1  }
0x97: {  	s17 =	sld [smem:$0x3FFB];
	_ =	sdelay $0x3  }
0x98: {  	_ =	strace s17  }
0x99: {  	s3 =	sld [smem:$0x3FFC];
	_ =	sdelay $0x3  }
0x9a: {  	_ =	strace s3  }
0x9b: {  	s3 =	sld [smem:$0x3FFD];
	_ =	sdelay $0x3  }
0x9c: {  	_ =	strace s3  }
0x9d: {  	_ =	strace $0x8FFFFFFF  }
0x9e: {  	s18 =	sld [smem:$0x3FDB];
	_ =	sdelay $0x1  }
0x9f: {  	s19 =	simm.s32 $_scs_section_size  }
0xa0: {  	s5 =	simm.s32 $_size__tile_overlayer_lowered;
	s6 =	simm.s32 $_tile_overlayer_lowered  }
0xa1: {  	s22 =	simm.s32 $0x1BFF;
	s21 =	sshll.u32 s6, $0x1;
	s3 =	sadd.s32 s19, s18  }
0xa2: {  	s7 =	simm.s32 $0x0;
	s20 =	sshll.u32 s5, $0x1;
	s5 =	sadd.s32 s21, s3  }
0xa3: {  	[timem:s7], [sflag:s22] =	dma.local [hbm:s5], s20  }
0xa4: {  	_ =	swait.ge [sflag:s22], s20  }
0xa5: {  	s4 =	ssub.s32 $0x0, s20;
	[sflag:s22] =	ssyncset.done $0x0  }
0xa6: {  	[sflag:s22] =	ssyncadd.s32 s4;
	_ =	sdelay $0x1  }
0xa7: {  	s23 =	simm.s32 $0x1B8B  }
0xa8: {  	_ =	swait.ge [sflag:s23], $0x1  }
0xa9: {  	[sflag:s23] =	ssyncset.done $0x0  }
0xaa: {  	s25 =	simm.s32 $0x1B8E;
	s24 =	sld [smem:$0x3FFE];
	[sflag:s23] =	ssyncadd.s32 $0xFFFFFFFF  }
0xab: {  	s26 =	simm.s32 $execute0_lowered;
	[smem:$0x3FD2] =	sst s25  }
0xac: {  	s5 =	sshll.u32 s26, $0x1;
	_ =	strace $0x80000046;
	[dreg:$0x1] =	wrdreg $0xFFFFFFFF  }
0xad: {  	s28 =	simm.s32 $_size_execute0_lowered;
	s3 =	sadd.s32 s3, s5;
	[dreg:$0x0] =	wrdreg $0x0  }
0xae: {  	s5 =	sshll.u32 s28, $0x1;
	[dreg:$0x2] =	wrdreg s3  }
0xaf: {  	[dreg:$0x3] =	wrdreg s5  }
0xb0: {  	[dreg:$0x4] =	wrdreg $0xC0  }
0xb1: {  	_ =	task [dreg:s7], $0x5FFFF  }
0xb2: {  	[dreg:$0x1] =	wrdreg $0xFFFFFFFF  }
0xb3: {  	[dreg:$0x0] =	wrdreg $0x60  }
0xb4: {  	[dreg:$0x2] =	wrdreg s24  }
0xb5: {  	[dreg:$0x3] =	wrdreg s16  }
0xb6: {  	[dreg:$0x4] =	wrdreg $0x9  }
0xb7: {  	_ =	task.clear_ibuf [dreg:s7], $0x5FFFF;
	_ =	strace $0x90000046  }
0xb8: {  	s29 =	simm.s32 $0x9;
	_ =	strace $0x80000048  }
0xb9: {  	_ =	swait.ge [sflag:s29], $0x1  }
0xba: {  	[sflag:s29] =	ssyncadd.s32 $0xFFFFFFFF  }
0xbb: {  	_ =	strace $0x90000048  }
0xbc: {  	_ =	sfence  }
0xbd: {  	s30 =	sld [smem:$0x0];
	_ =	sdelay $0x2  }
0xbe: {  	s31 =	sshll.u32 s1, $0xD;
	s1 =	sshrl.u32 s1, $0x2  }
0xbf: {  	s3 =	sand.u32 $0x4000, s31;
	s1 =	sadd.s32 s1, s30  }
0xc0: {  	s0 =	sor.u32 s3, s0;
	s1 =	sshll.u32 s1, $0x11  }
0xc1: {  	s0 =	sor.u32 s1, s0  }
0xc2: {  	s0 =	sadd.s32 $0x8F2B, s0  }
0xc3: {  	[sflag:s0] =	ssyncadd.remote.s32 $0x1  }
0xc4: {  	_ =	sfence.sel $0xFFFF  }
0xc5: {  	[dreg:$0x0] =	wrdreg $0xFFFFFFFF;
	(pc) =	sbr.abs _section_cstart, $3  }
0xc6: {  	[dreg:$0x1] =	wrdreg $0xFFFFFFFF  }
0xc7: {  	_ =	task.clear_ibuf [dreg:s7], $0x2FFFF;
	_ =	strace $0x9FFFFFFF  }
0xc8: {  	(tm) =	ssettm $0x7FFFFFFF  }
0xc9: {  	_ =	shalt  }
tec
execute0_lowered:
.L_overlay_start_1:
0x0: {  	(tag) =	ssettag $0x1  }
0x1: {  	s1 =	srdreg.scid  }
0x2: {  	s1 =	sand.u32 $0x1, s1  }
0x3: {  	p0 =	seq.s32 s1, $0x1  }
.Ltmp0:
0x4: {  	_ = 	snop;
	(pc) =	sbr.rel @p0 .LBB2_4-.Ltmp0, $4  }
0x5: {  	s3 =	rddreg [dreg:$0x0]  }
0x6: {  	s4 =	rddreg [dreg:$0x1];
	s2 =	simm.s32 $0x0  }
0x7: {  	[smem:$0x7FF] =	sst s2  }
0x8: {  	s0 =	rddreg [dreg:$0x2];
	_ =	strace $0x80000047;
	s1 =	stileid.u32  }
0x9: {  	s5 =	sadd.s32 $0x1000, s3;
	s6 =	sshll.u32 s1, $0x6  }
0xa: {  	s26 =	simm.s32 $0x1;
	s5 =	sadd.s32 s5, s6  }
0xb: {  	[tilespmem:s2], [sflag:$0x1] =	stream.linear.gather [hbm4b:s5+s2], $0x200, $0x38;
	[tilespmem:$0x380] =	vst v63  }
0xc: {  	_ =	swait.ge [sflag:s26], $0x200  }
0xd: {  	[sflag:s26] =	ssyncset.done $0x0  }
0xe: {  	s28 =	simm.s32 $0x200;
	[sflag:s26] =	ssyncadd.s32 $0xFFFFFE00  }
0xf: {  	[tilespmem:s28], [sflag:$0x1] =	stream.linear.gather [hbm4b:s4+s2], $0x80, $0x38;
	[tilespmem:$0x380] =	vst v63  }
0x10: {  	_ =	swait.ge [sflag:s26], $0x80  }
0x11: {  	[sflag:s26] =	ssyncset.done $0x0  }
0x12: {  	v0 =	vimm.f32 $-Inf;
	[sflag:s26] =	ssyncadd.s32 $0xFFFFFF80  }
0x13: {  	v1 =	vimm.s32 $0x2000;
	[tilespmem:$0x280] =	vst v0  }
0x14: {  	[tilespmem:$0x300] =	vst v1  }
0x15: {  	[tilespmem:$0x290] =	vst v0  }
0x16: {  	[tilespmem:$0x310] =	vst v1  }
0x17: {  	[tilespmem:$0x2A0] =	vst v0  }
0x18: {  	[tilespmem:$0x320] =	vst v1  }
0x19: {  	[tilespmem:$0x2B0] =	vst v0  }
0x1a: {  	[tilespmem:$0x330] =	vst v1  }
0x1b: {  	[tilespmem:$0x2C0] =	vst v0  }
0x1c: {  	[tilespmem:$0x340] =	vst v1  }
0x1d: {  	[tilespmem:$0x2D0] =	vst v0  }
0x1e: {  	[tilespmem:$0x350] =	vst v1  }
0x1f: {  	[tilespmem:$0x2E0] =	vst v0  }
0x20: {  	[tilespmem:$0x360] =	vst v1  }
0x21: {  	[tilespmem:$0x2F0] =	vst v0  }
0x22: {  	s29 =	simm.s32 $0x0;
	[tilespmem:$0x370] =	vst v1;
	v0 =	vld [tilespmem:$0x200]  }
0x23: {  	v5 =	vld [tilespmem:s29+$0x0];
	_ =	sdelay $0x4  }
0x24: {  	v2 =	vimm.s32 $0x0;
	vm0 =	vge.f32 v5, v0  }
0x25: {  	v1 =	vsel vm0, $0x1, v2  }
0x26: {  	(xrf0) =	vadd.scan.msk.s32 $0xffff, v1;
	v1 =	vlaneseq.u32  }
0x27: {  	v3 =	vor.u32 $0x80000400, v1;
	v4 =	vor.u32 $0x80000000, v1  }
0x28: {  	s5 =	sshll.u32 s1, $0x9;
	v6 =	vsel vm0, v4, v3  }
0x29: {  	v7 =	vor.u32 s5, v1;
	(xrf1) =	vsort.ascd.msk.u32 $0xffff, v6, v5  }
0x2a: {  	(xrf1) =	vsort.ascd.msk.u32 $0xffff, v6, v7;
	_ =	sdelay $0x2  }
0x2b: {  	v5, _, _ =	vpop (xrf0)  }
0x2c: {  	(v2sf) =	vpush v5, $0xF;
	_ =	sdelay $0x7  }
0x2d: {  	p0 =	por $0x1, $0x1;
	s6 =	simm.s32 $0x0  }
0x2e: {  	s6 =	simm.s32 @!p0 $0x70;
	_, v5, _ =	vpop (xrf1)  }
0x2f: {  	[tilespmem:s6+$0x280] =	vst v5;
	_, v5, _ =	vpop (xrf1)  }
0x30: {  	s8 =	simm.s32 $0x10;
	[tilespmem:s6+$0x300] =	vst v5  }
0x31: {  	s30 =	smul.u32 $0xE, s1;
	v5 =	vld [tilespmem:s8+$0x0];
	_ =	sdelay $0x1  }
0x32: {  	s7 =	simm.s32 $0x80;
	s31 =	sadd.s32 s30, s3  }
0x33: {  	s3 =	sadd.s32 $0x1600, s31;
	s4 =	sadd.s32 $0x1400, s31;
	s6 =	spop (v2sf)  }
.LBB2_2:
0x34: {  	s2 =	sadd.s32 s2, s6  }
0x35: {  	vm0 =	vge.f32 v5, v0;
	s5 =	sadd.s32 $0x10, s5;
	s6 =	smov.u32 s7;
	s8 =	sadd.s32 $0x40, s7  }
0x36: {  	p0 =	sne.s32 s7, $0x7C0;
	v6 =	vsel vm0, v4, v3;
	p1 =	slt.s32 s2, $0x70;
	v7 =	vsel vm0, $0x1, v2  }
0x37: {  	(xrf0) =	vadd.scan.msk.s32 $0xffff, v7  }
0x38: {  	v7 =	vor.u32 s5, v1;
	(xrf1) =	vsort.ascd.msk.u32 $0xffff, v6, v5  }
0x39: {  	(xrf1) =	vsort.ascd.msk.u32 $0xffff, v6, v7;
	_ =	sdelay $0x3  }
0x3a: {  	v5, _, _ =	vpop (xrf0)  }
0x3b: {  	(v2sf) =	vpush v5, $0xF;
	_ =	sdelay $0x6  }
0x3c: {  	s7 =	smov.u32 s2  }
0x3d: {  	s7 =	simm.s32 @!p1 $0x70;
	_, v5, _ =	vpop (xrf1)  }
0x3e: {  	[tilespmem:s7+$0x280] =	vst v5;
	_, v5, _ =	vpop (xrf1)  }
0x3f: {  	s6 =	sshra.s32 s6, $0x2;
	[tilespmem:s7+$0x300] =	vst v5  }
.Ltmp1:
0x40: {  	v5 =	vld [tilespmem:s6+$0x0];
	(pc) =	sbr.rel @p0 .LBB2_2-.Ltmp1, $2  }
0x41: {  	_ =	sdelay $0x2  }
0x42: {  	s7 =	smov.u32 s8;
	s6 =	spop (v2sf)  }
0x43: {  	vm0 =	vge.f32 v5, v0  }
0x44: {  	v0 =	vsel vm0, $0x1, v2  }
0x45: {  	(xrf0) =	vadd.scan.msk.s32 $0xffff, v0;
	_ =	sdelay $0x2  }
0x46: {  	s5 =	sadd.s32 $0x10, s5;
	v60 =	vsel vm0, v4, v3  }
0x47: {  	v1 =	vor.u32 s5, v1;
	(xrf1) =	vsort.ascd.msk.u32 $0xffff, v60, v5  }
0x48: {  	(xrf1) =	vsort.ascd.msk.u32 $0xffff, v60, v1  }
0x49: {  	v61, _, _ =	vpop (xrf0)  }
0x4a: {  	(v2sf) =	vpush v61, $0xF;
	_ =	sdelay $0x8  }
0x4b: {  	s2 =	sadd.s32 s2, s6  }
0x4c: {  	p0 =	slt.s32 s2, $0x70  }
0x4d: {  	s2 =	simm.s32 @!p0 $0x70;
	_, v62, _ =	vpop (xrf1)  }
0x4e: {  	[tilespmem:s2+$0x280] =	vst v62;
	_, v63, _ =	vpop (xrf1)  }
0x4f: {  	s28 =	simm.s32 $0x0;
	s29 =	simm.s32 $0x280;
	[tilespmem:s2+$0x300] =	vst v63  }
0x50: {  	[hbm4b:s4+s28] =	stream.linear.scatter [tilespmem:s29], [sflag:$0x1], $0x70, $0x38;
	[tilespmem:$0x380] =	vst v63  }
0x51: {  	s4 =	simm.s32 $0x1;
	s30 =	spop (v2sf)  }
0x52: {  	_ =	swait.ge [sflag:s4], $0x70  }
0x53: {  	[sflag:s4] =	ssyncset.done $0x0  }
0x54: {  	s31 =	simm.s32 $0x300;
	[sflag:s4] =	ssyncadd.s32 $0xFFFFFF90  }
0x55: {  	[hbm4b:s3+s28] =	stream.linear.scatter [tilespmem:s31], [sflag:$0x1], $0x70, $0x38;
	[tilespmem:$0x380] =	vst v63  }
0x56: {  	_ =	swait.ge [sflag:s4], $0x70  }
0x57: {  	[sflag:s4] =	ssyncset.done $0x0  }
0x58: {  	[sflag:s4] =	ssyncadd.s32 $0xFFFFFF90  }
.LBB2_4:
0x59: {  	_ =	sfence.sel $0x180000  }
0x5a: {  	[bflag:$0x0] =	sbarrier.arrive $0xFFFF  }
0x5b: {  	p0 =	sne.s32 s1, $0x0;
	_ =	strace $0x90000047  }
0x5c: {  	s0 =	sadd.s32 @!p0 $0x100000, s0;
	[bflag:$0x2] =	sbarrier.arrive $0xFFFF  }
0x5d: {  	[sflag:s0] =	ssyncadd.tile.s32 @!p0 $0x1;
	_ =	shalt  }
.Lfunc_end2:
_tile_overlayer_lowered:
.L_overlay_start_2:
0x5e: {  	(tag) =	ssettag $0x2  }
0x5f: {  	s0 =	rddreg [dreg:$0x0];
	s2 =	stileid.u32  }
0x60: {  	s1 =	rddreg [dreg:$0x1];
	p0 =	sne.s32 s2, $0x0  }
0x61: {  	s3 =	rddreg [dreg:$0x2];
	[bflag:$0x3] =	sbarrier.arrive $0xFFFF;
	s2 =	simm.s32 @!p0 $0x1C01  }
0x62: {  	[timem:s3], [sflag:s2] =	dma.local @!p0 [hbm:s0], s1  }
0x63: {  	s0 =	simm.s32 @!p0 $0x1  }
0x64: {  	_ =	swait.ge @!p0 [sflag:s0], s1  }
0x65: {  	s1 =	ssub.s32 @!p0 $0x0, s1;
	[sflag:s0] =	ssyncset.done @!p0 $0x0  }
0x66: {  	[sflag:s0] =	ssyncadd.s32 @!p0 s1  }
0x67: {  	[bflag:$0x3] =	sbarrier.arrive $0xFFFF  }
0x68: {  	_ =	shalt  }

</sc_bundles>
